<compile_context>
chip_gen: v7x
topology: tpu7x:2x2x1
jax: 0.10.2.dev20260603
libtpu: 0.0.44.dev20260713+nightly
codegen_flags: <defaults>
</compile_context>

<pallas_src>
import math

import jax
import jax.numpy as jnp
from jax import lax
from jax.experimental import pallas as pl
from jax.experimental.pallas import tpu as pltpu
from jax.experimental.pallas import tpu_sc as plsc

_B = 16384
_EMBED = 32
_OUT_COLS = 130
_LANES = 16

_DOW_MEAN = 3.0
_DOW_INV_STD = 1.0 / math.sqrt(36.0 / 12.0)
_HOUR_MEAN = 11.5
_HOUR_INV_STD = 1.0 / math.sqrt(23.0 * 23.0 / 12.0)
_DOW_MAX_BIN = 7
_HOUR_MAX_BIN = 24

_NC = 2
_NS = 16
_NW = _NC * _NS
_BPW = _B // _NW
_CHUNK = 64
_NCHUNK = _BPW // _CHUNK
_NGROUP = _CHUNK // _LANES


def _body(uid_hbm, emo_hbm, dow_hbm, hour_hbm,
          us_hbm, sm_hbm, out_hbm,
          uid_v, emo_v, dbin_v, hbin_v,
          uidx_v, pka_v, pkb_v,
          dow_v, hour_v, dn_v, hn_v,
          sm_v,
          us0_v, us1_v, asm0_v, asm1_v,
          sem_u0, sem_u1, sem_o0, sem_o1):
    wid = lax.axis_index("s") * _NC + lax.axis_index("c")
    base = wid * _BPW
    rows = pl.ds(base, _BPW)

    pltpu.sync_copy(uid_hbm.at[rows], uid_v)
    pltpu.sync_copy(emo_hbm.at[rows], emo_v)
    pltpu.sync_copy(dow_hbm.at[rows], dow_v)
    pltpu.sync_copy(hour_hbm.at[rows], hour_v)
    pltpu.sync_copy(sm_hbm, sm_v)

    def prep(i, carry):
        sl = pl.ds(i * _LANES, _LANES)
        x = dow_v[sl]
        db = jnp.minimum(x.astype(jnp.int32) + 1, _DOW_MAX_BIN)
        dbin_v[sl] = db
        dn_v[sl] = (x - _DOW_MEAN) * _DOW_INV_STD
        y = hour_v[sl]
        hb = jnp.minimum(y.astype(jnp.int32) + 1, _HOUR_MAX_BIN)
        hbin_v[sl] = hb
        hn_v[sl] = (y - _HOUR_MEAN) * _HOUR_INV_STD
        u = uid_v[sl]
        uidx_v[sl] = u >> 2
        pka_v[sl] = ((u & 3) << 5) | (emo_v[sl] << (5 + 7))
        pkb_v[sl] = ((db + 65) << 5) | ((hb + 73) << 22)
        return carry

    lax.fori_loop(0, _BPW // _LANES, prep, 0)

    lanes = lax.iota(jnp.int32, _LANES)
    us_bufs = (us0_v, us1_v)
    asm_bufs = (asm0_v, asm1_v)
    usems = (sem_u0, sem_u1)
    osems = (sem_o0, sem_o1)

    def fire_gather(ch, par):
        pltpu.async_copy(us_hbm.at[uidx_v.at[pl.ds(ch * _CHUNK, _CHUNK)]],
                         us_bufs[par], usems[par])

    def wait_gather(ch, par):
        pltpu.make_async_copy(
            us_hbm.at[uidx_v.at[pl.ds(ch * _CHUNK, _CHUNK)]],
            us_bufs[par], usems[par]).wait()

    def fire_out(ch, par):
        pltpu.async_copy(asm_bufs[par],
                         out_hbm.at[pl.ds(base + ch * _CHUNK, _CHUNK)],
                         osems[par])

    def wait_out(ch, par):
        pltpu.make_async_copy(asm_bufs[par],
                              out_hbm.at[pl.ds(base + ch * _CHUNK, _CHUNK)],
                              osems[par]).wait()

    def extract(ch, par):
        us_v = us_bufs[par]
        asm_v = asm_bufs[par]

        @plsc.parallel_loop(0, _NGROUP, unroll=1)
        def norms(g):
            gsl = pl.ds(ch * _CHUNK + g * _LANES, _LANES)
            r16 = lanes + g * _LANES
            plsc.store_scatter(asm_v, [r16, jnp.full((_LANES,), 96, jnp.int32)],
                               dn_v[gsl])
            plsc.store_scatter(asm_v, [r16, jnp.full((_LANES,), 129, jnp.int32)],
                               hn_v[gsl])

        @plsc.parallel_loop(0, _CHUNK, unroll=16)
        def row(r):
            ar = jnp.full((_LANES,), ch * _CHUNK + r, jnp.int32)
            pka = plsc.load_gather(pka_v, [ar])
            pkb = plsc.load_gather(pkb_v, [ar])
            rr = jnp.full((_LANES,), r, jnp.int32)
            ucol = (pka & 0x7F) + lanes
            ecol = (pka >> 7) + lanes
            dcol = (pkb & 0x1FFFF) + lanes
            hcol = (pkb >> 17) + lanes
            for k in (0, 16):
                vu = plsc.load_gather(us_v, [rr, ucol + k])
                plsc.store_scatter(asm_v, [rr, lanes + k], vu)
                vf = plsc.load_gather(sm_v, [ecol + k])
                plsc.store_scatter(asm_v, [rr, lanes + (32 + k)], vf)
                vd = plsc.load_gather(sm_v, [dcol + k])
                plsc.store_scatter(asm_v, [rr, lanes + (64 + k)], vd)
                vh = plsc.load_gather(sm_v, [hcol + k])
                plsc.store_scatter(asm_v, [rr, lanes + (97 + k)], vh)

    fire_gather(0, 0)

    @pl.loop(0, _NCHUNK, step=2)
    def chunk_pair(i):
        for par in (0, 1):
            ch = i + par

            @pl.when(ch + 1 < _NCHUNK)
            def _():
                fire_gather(ch + 1, (par + 1) % 2)

            wait_gather(ch, par)

            @pl.when(ch >= 2)
            def _():
                wait_out(ch - 2, par)

            extract(ch, par)
            fire_out(ch, par)

    wait_out(_NCHUNK - 2, 0)
    wait_out(_NCHUNK - 1, 1)


@jax.jit
def _run(userId, emotion, dow, hour, user_table, feelings_table, dow_table, hour_table):
    us = user_table[:100000].reshape(25000, 128)
    sm = jnp.concatenate(
        [feelings_table, dow_table, hour_table], axis=0).reshape(-1)
    mesh = plsc.VectorSubcoreMesh(core_axis_name="c", subcore_axis_name="s")
    f = pl.kernel(
        _body,
        out_type=jax.ShapeDtypeStruct((_B, _OUT_COLS), jnp.float32),
        mesh=mesh,
        compiler_params=pltpu.CompilerParams(needs_layout_passes=False),
        scratch_types=[
            pltpu.VMEM((_BPW,), jnp.int32),
            pltpu.VMEM((_BPW,), jnp.int32),
            pltpu.VMEM((_BPW,), jnp.int32),
            pltpu.VMEM((_BPW,), jnp.int32),
            pltpu.VMEM((_BPW,), jnp.int32),
            pltpu.VMEM((_BPW,), jnp.int32),
            pltpu.VMEM((_BPW,), jnp.int32),
            pltpu.VMEM((_BPW,), jnp.float32),
            pltpu.VMEM((_BPW,), jnp.float32),
            pltpu.VMEM((_BPW,), jnp.float32),
            pltpu.VMEM((_BPW,), jnp.float32),
            pltpu.VMEM((98 * 32,), jnp.float32),
            pltpu.VMEM((_CHUNK, 128), jnp.float32),
            pltpu.VMEM((_CHUNK, 128), jnp.float32),
            pltpu.VMEM((_CHUNK, _OUT_COLS), jnp.float32),
            pltpu.VMEM((_CHUNK, _OUT_COLS), jnp.float32),
            pltpu.SemaphoreType.DMA,
            pltpu.SemaphoreType.DMA,
            pltpu.SemaphoreType.DMA,
            pltpu.SemaphoreType.DMA,
        ],
    )
    return f(userId, emotion, dow, hour, us, sm)


def kernel(userId, emotion, dow, hour, user_table, feelings_table, dow_table, hour_table):
    return _run(userId, emotion, dow, hour,
                user_table, feelings_table, dow_table, hour_table)

# --- scband reference (transcript-rebuilt; emitter-appended) ---
"""Pipeline reference for scband-user-model-10024453669248 (READ-ONLY COPY).

The authoritative reference and input builder live on the scoring server;
editing this copy changes nothing except your own understanding.
"""

import jax, jax.numpy as jnp
import numpy as np

B = 16384
NUM_USERS = 100000
NUM_FEELINGS = 64
EMBED = 32
DOW_BUCKETS = jnp.asarray(np.linspace(0.0, 6.0, num=7), dtype=jnp.float32)   # 7 boundaries -> 8 bins
HOUR_BUCKETS = jnp.asarray(np.linspace(0.0, 23.0, num=24), dtype=jnp.float32) # 24 boundaries -> 25 bins
# Normalization layer stats (adapted constants, non-trainable): uniform on [0,6] and [0,23]
DOW_MEAN, DOW_STD = 3.0, float(np.sqrt(36.0 / 12.0))
HOUR_MEAN, HOUR_STD = 11.5, float(np.sqrt(23.0 * 23.0 / 12.0))


def setup_inputs(seed: int = 0) -> dict:
    key = jax.random.key(seed)
    k1, k2, k3, k4, k5, k6, k7, k8 = jax.random.split(key, 8)
    userId = jax.random.randint(k1, (B,), 0, NUM_USERS, dtype=jnp.int32)
    emotion = jax.random.randint(k2, (B,), 0, NUM_FEELINGS, dtype=jnp.int32)
    dow = jax.random.uniform(k3, (B,), minval=0.0, maxval=6.0, dtype=jnp.float32)
    hour = jax.random.uniform(k4, (B,), minval=0.0, maxval=23.0, dtype=jnp.float32)
    # Learned embedding tables (StringLookup/Discretization vocab size + 1 OOV/extra bin)
    user_table = jax.random.normal(k5, (NUM_USERS + 1, EMBED), dtype=jnp.float32) * 0.05
    feelings_table = jax.random.normal(k6, (NUM_FEELINGS + 1, EMBED), dtype=jnp.float32) * 0.05
    dow_table = jax.random.normal(k7, (len(DOW_BUCKETS) + 1, EMBED), dtype=jnp.float32) * 0.05
    hour_table = jax.random.normal(k8, (len(HOUR_BUCKETS) + 1, EMBED), dtype=jnp.float32) * 0.05
    return {
        "userId": userId,
        "emotion": emotion,
        "dow": dow,
        "hour": hour,
        "user_table": user_table,
        "feelings_table": feelings_table,
        "dow_table": dow_table,
        "hour_table": hour_table,
    }


def reference(userId, emotion, dow, hour, user_table, feelings_table, dow_table, hour_table):
    # user / feelings lookup (StringLookup replaced by integer ids)
    user_emb = jnp.take(user_table, userId, axis=0)           # [B, 32]
    feel_emb = jnp.take(feelings_table, emotion, axis=0)      # [B, 32]
    # Discretization -> Embedding for dow
    dow_bins = jnp.digitize(dow, DOW_BUCKETS)                 # [B] in [0, 7]
    dow_emb = jnp.take(dow_table, dow_bins, axis=0)           # [B, 32]
    dow_norm = ((dow - DOW_MEAN) / DOW_STD).reshape(-1, 1)    # [B, 1]
    # Discretization -> Embedding for hour
    hour_bins = jnp.digitize(hour, HOUR_BUCKETS)              # [B] in [0, 24]
    hour_emb = jnp.take(hour_table, hour_bins, axis=0)        # [B, 32]
    hour_norm = ((hour - HOUR_MEAN) / HOUR_STD).reshape(-1, 1)
    return jnp.concatenate([user_emb, feel_emb, dow_emb, dow_norm, hour_emb, hour_norm], axis=1)  # [B, 130]

if __name__ == "__main__":
    import jax
    _d = setup_inputs()
    print(jax.jit(kernel)(*tuple(_d.values())))

</pallas_src>

<mosaic_0001>
#map = affine_map<(d0, d1) -> (0)>
#map1 = affine_map<(d0, d1) -> (0, 0)>
module attributes {stable_mosaic.version = 14 : i64} {
  func.func @_body(%arg0: i32, %arg1: i32, %arg2: memref<16384xi32, #tpu.memory_space<hbm>>, %arg3: memref<16384xi32, #tpu.memory_space<hbm>>, %arg4: memref<16384xf32, #tpu.memory_space<hbm>>, %arg5: memref<16384xf32, #tpu.memory_space<hbm>>, %arg6: memref<25000x128xf32, #tpu.memory_space<hbm>>, %arg7: memref<3136xf32, #tpu.memory_space<hbm>>, %arg8: memref<16384x130xf32, #tpu.memory_space<hbm>>, %arg9: memref<512xi32, #tpu.memory_space<vmem>>, %arg10: memref<512xi32, #tpu.memory_space<vmem>>, %arg11: memref<512xi32, #tpu.memory_space<vmem>>, %arg12: memref<512xi32, #tpu.memory_space<vmem>>, %arg13: memref<512xi32, #tpu.memory_space<vmem>>, %arg14: memref<512xi32, #tpu.memory_space<vmem>>, %arg15: memref<512xi32, #tpu.memory_space<vmem>>, %arg16: memref<512xf32, #tpu.memory_space<vmem>>, %arg17: memref<512xf32, #tpu.memory_space<vmem>>, %arg18: memref<512xf32, #tpu.memory_space<vmem>>, %arg19: memref<512xf32, #tpu.memory_space<vmem>>, %arg20: memref<3136xf32, #tpu.memory_space<vmem>>, %arg21: memref<64x128xf32, #tpu.memory_space<vmem>>, %arg22: memref<64x128xf32, #tpu.memory_space<vmem>>, %arg23: memref<64x130xf32, #tpu.memory_space<vmem>>, %arg24: memref<64x130xf32, #tpu.memory_space<vmem>>, %arg25: memref<!tpu.dma_semaphore, #tpu.memory_space<semaphore_mem>>, %arg26: memref<!tpu.dma_semaphore, #tpu.memory_space<semaphore_mem>>, %arg27: memref<!tpu.dma_semaphore, #tpu.memory_space<semaphore_mem>>, %arg28: memref<!tpu.dma_semaphore, #tpu.memory_space<semaphore_mem>>) attributes {dimension_semantics = [#tpu.dimension_semantics<core_parallel>, #tpu.dimension_semantics<subcore_parallel>], iteration_bounds = array<i64: 2, 16>, scalar_prefetch = 0 : i64, scratch_operands = 20 : i64, tpu.core_type = #tpu.core_type<sc_vector_subcore>, window_params = [{transform_indices = #map}, {transform_indices = #map}, {transform_indices = #map}, {transform_indices = #map}, {transform_indices = #map1}, {transform_indices = #map}, {transform_indices = #map1}]} {
    %mul3A = arith.constant 2 : i32
    %mul3A_0 = arith.muli %arg1, %mul3A : i32
    %add3A = arith.addi %mul3A_0, %arg0 : i32
    %mul3A_1 = arith.constant 512 : i32
    %mul3A_2 = arith.muli %add3A, %mul3A_1 : i32
    "tpu.region"() ({
      %run_scoped3A = tpu.sem_alloc : memref<!tpu.dma_semaphore, #tpu.memory_space<semaphore_mem>>
      %dma_start3A_28 = tpu.memref_slice %arg2[%mul3A_2] : memref<16384xi32, #tpu.memory_space<hbm>> -> memref<512xi32, #tpu.memory_space<hbm>>
      %dma_start3A_29 = tpu.memref_slice %arg2[%mul3A_2] : memref<16384xi32, #tpu.memory_space<hbm>> -> memref<512xi32, #tpu.memory_space<hbm>>
      tpu.enqueue_dma source(%dma_start3A_29 : memref<512xi32, #tpu.memory_space<hbm>>) target(%arg9 : memref<512xi32, #tpu.memory_space<vmem>>) target_semaphore(%run_scoped3A : memref<!tpu.dma_semaphore, #tpu.memory_space<semaphore_mem>>)
      %dma_wait3A_30 = tpu.memref_slice %arg2[%mul3A_2] : memref<16384xi32, #tpu.memory_space<hbm>> -> memref<512xi32, #tpu.memory_space<hbm>>
      %dma_wait3A_31 = tpu.memref_slice %arg2[%mul3A_2] : memref<16384xi32, #tpu.memory_space<hbm>> -> memref<512xi32, #tpu.memory_space<hbm>>
      tpu.wait_dma2 semaphore(%run_scoped3A : memref<!tpu.dma_semaphore, #tpu.memory_space<semaphore_mem>>) src(%dma_wait3A_31 : memref<512xi32, #tpu.memory_space<hbm>>) dst(%arg9 : memref<512xi32, #tpu.memory_space<vmem>>)
      tpu.yield
    }) : () -> ()
    "tpu.region"() ({
      %run_scoped3A = tpu.sem_alloc : memref<!tpu.dma_semaphore, #tpu.memory_space<semaphore_mem>>
      %dma_start3A_28 = tpu.memref_slice %arg3[%mul3A_2] : memref<16384xi32, #tpu.memory_space<hbm>> -> memref<512xi32, #tpu.memory_space<hbm>>
      %dma_start3A_29 = tpu.memref_slice %arg3[%mul3A_2] : memref<16384xi32, #tpu.memory_space<hbm>> -> memref<512xi32, #tpu.memory_space<hbm>>
      tpu.enqueue_dma source(%dma_start3A_29 : memref<512xi32, #tpu.memory_space<hbm>>) target(%arg10 : memref<512xi32, #tpu.memory_space<vmem>>) target_semaphore(%run_scoped3A : memref<!tpu.dma_semaphore, #tpu.memory_space<semaphore_mem>>)
      %dma_wait3A_30 = tpu.memref_slice %arg3[%mul3A_2] : memref<16384xi32, #tpu.memory_space<hbm>> -> memref<512xi32, #tpu.memory_space<hbm>>
      %dma_wait3A_31 = tpu.memref_slice %arg3[%mul3A_2] : memref<16384xi32, #tpu.memory_space<hbm>> -> memref<512xi32, #tpu.memory_space<hbm>>
      tpu.wait_dma2 semaphore(%run_scoped3A : memref<!tpu.dma_semaphore, #tpu.memory_space<semaphore_mem>>) src(%dma_wait3A_31 : memref<512xi32, #tpu.memory_space<hbm>>) dst(%arg10 : memref<512xi32, #tpu.memory_space<vmem>>)
      tpu.yield
    }) : () -> ()
    "tpu.region"() ({
      %run_scoped3A = tpu.sem_alloc : memref<!tpu.dma_semaphore, #tpu.memory_space<semaphore_mem>>
      %dma_start3A_28 = tpu.memref_slice %arg4[%mul3A_2] : memref<16384xf32, #tpu.memory_space<hbm>> -> memref<512xf32, #tpu.memory_space<hbm>>
      %dma_start3A_29 = tpu.memref_slice %arg4[%mul3A_2] : memref<16384xf32, #tpu.memory_space<hbm>> -> memref<512xf32, #tpu.memory_space<hbm>>
      tpu.enqueue_dma source(%dma_start3A_29 : memref<512xf32, #tpu.memory_space<hbm>>) target(%arg16 : memref<512xf32, #tpu.memory_space<vmem>>) target_semaphore(%run_scoped3A : memref<!tpu.dma_semaphore, #tpu.memory_space<semaphore_mem>>)
      %dma_wait3A_30 = tpu.memref_slice %arg4[%mul3A_2] : memref<16384xf32, #tpu.memory_space<hbm>> -> memref<512xf32, #tpu.memory_space<hbm>>
      %dma_wait3A_31 = tpu.memref_slice %arg4[%mul3A_2] : memref<16384xf32, #tpu.memory_space<hbm>> -> memref<512xf32, #tpu.memory_space<hbm>>
      tpu.wait_dma2 semaphore(%run_scoped3A : memref<!tpu.dma_semaphore, #tpu.memory_space<semaphore_mem>>) src(%dma_wait3A_31 : memref<512xf32, #tpu.memory_space<hbm>>) dst(%arg16 : memref<512xf32, #tpu.memory_space<vmem>>)
      tpu.yield
    }) : () -> ()
    "tpu.region"() ({
      %run_scoped3A = tpu.sem_alloc : memref<!tpu.dma_semaphore, #tpu.memory_space<semaphore_mem>>
      %dma_start3A_28 = tpu.memref_slice %arg5[%mul3A_2] : memref<16384xf32, #tpu.memory_space<hbm>> -> memref<512xf32, #tpu.memory_space<hbm>>
      %dma_start3A_29 = tpu.memref_slice %arg5[%mul3A_2] : memref<16384xf32, #tpu.memory_space<hbm>> -> memref<512xf32, #tpu.memory_space<hbm>>
      tpu.enqueue_dma source(%dma_start3A_29 : memref<512xf32, #tpu.memory_space<hbm>>) target(%arg17 : memref<512xf32, #tpu.memory_space<vmem>>) target_semaphore(%run_scoped3A : memref<!tpu.dma_semaphore, #tpu.memory_space<semaphore_mem>>)
      %dma_wait3A_30 = tpu.memref_slice %arg5[%mul3A_2] : memref<16384xf32, #tpu.memory_space<hbm>> -> memref<512xf32, #tpu.memory_space<hbm>>
      %dma_wait3A_31 = tpu.memref_slice %arg5[%mul3A_2] : memref<16384xf32, #tpu.memory_space<hbm>> -> memref<512xf32, #tpu.memory_space<hbm>>
      tpu.wait_dma2 semaphore(%run_scoped3A : memref<!tpu.dma_semaphore, #tpu.memory_space<semaphore_mem>>) src(%dma_wait3A_31 : memref<512xf32, #tpu.memory_space<hbm>>) dst(%arg17 : memref<512xf32, #tpu.memory_space<vmem>>)
      tpu.yield
    }) : () -> ()
    "tpu.region"() ({
      %run_scoped3A = tpu.sem_alloc : memref<!tpu.dma_semaphore, #tpu.memory_space<semaphore_mem>>
      tpu.enqueue_dma source(%arg7 : memref<3136xf32, #tpu.memory_space<hbm>>) target(%arg20 : memref<3136xf32, #tpu.memory_space<vmem>>) target_semaphore(%run_scoped3A : memref<!tpu.dma_semaphore, #tpu.memory_space<semaphore_mem>>)
      tpu.wait_dma2 semaphore(%run_scoped3A : memref<!tpu.dma_semaphore, #tpu.memory_space<semaphore_mem>>) src(%arg7 : memref<3136xf32, #tpu.memory_space<hbm>>) dst(%arg20 : memref<3136xf32, #tpu.memory_space<vmem>>)
      tpu.yield
    }) : () -> ()
    %scan3A = arith.constant 0 : i32
    %scan3A_3 = arith.constant 0 : i32
    %scan3A_4 = arith.constant 32 : i32
    %scan3A_5 = arith.addi %scan3A_3, %scan3A_4 : i32
    %scan3A_6 = arith.constant 1 : i32
    scf.for %scan3A_28 = %scan3A_3 to %scan3A_5 step %scan3A_6  : i32 {
      %mul3A_29 = arith.constant 16 : i32
      %mul3A_30 = arith.muli %scan3A_28, %mul3A_29 : i32
      %get3A = arith.index_cast %mul3A_30 : i32 to index
      %get3A_31 = tpu.vector_load %arg16[%get3A] {strides = array<i32>} : memref<512xf32, #tpu.memory_space<vmem>>, vector<16xf32>,
      %convert_element_type3A = arith.fptosi %get3A_31 : vector<16xf32> to vector<16xi32>
      %add3A_32 = arith.constant 1 : i32
      %add3A_33 = vector.broadcast %add3A_32 : i32 to vector<16xi32>
      %add3A_34 = arith.addi %convert_element_type3A, %add3A_33 : vector<16xi32>
      %min3A = arith.constant 7 : i32
      %min3A_35 = vector.broadcast %min3A : i32 to vector<16xi32>
      %min3A_36 = arith.minsi %add3A_34, %min3A_35 : vector<16xi32>
      %swap3A = arith.index_cast %mul3A_30 : i32 to index
      %swap3A_37 = tpu.vector_load %arg11[%swap3A] {strides = array<i32>} : memref<512xi32, #tpu.memory_space<vmem>>, vector<16xi32>,
      tpu.vector_store %arg11[%swap3A], %min3A_36 {strides = array<i32>} : memref<512xi32, #tpu.memory_space<vmem>>, vector<16xi32>,
      %sub3A = arith.constant 3.000000e+00 : f32
      %sub3A_38 = vector.broadcast %sub3A : f32 to vector<16xf32>
      %sub3A_39 = arith.subf %get3A_31, %sub3A_38 : vector<16xf32>
      %mul3A_40 = arith.constant 0.577350259 : f32
      %mul3A_41 = vector.broadcast %mul3A_40 : f32 to vector<16xf32>
      %mul3A_42 = arith.mulf %sub3A_39, %mul3A_41 : vector<16xf32>
      %swap3A_43 = arith.index_cast %mul3A_30 : i32 to index
      %swap3A_44 = tpu.vector_load %arg18[%swap3A_43] {strides = array<i32>} : memref<512xf32, #tpu.memory_space<vmem>>, vector<16xf32>,
      tpu.vector_store %arg18[%swap3A_43], %mul3A_42 {strides = array<i32>} : memref<512xf32, #tpu.memory_space<vmem>>, vector<16xf32>,
      %get3A_45 = arith.index_cast %mul3A_30 : i32 to index
      %get3A_46 = tpu.vector_load %arg17[%get3A_45] {strides = array<i32>} : memref<512xf32, #tpu.memory_space<vmem>>, vector<16xf32>,
      %convert_element_type3A_47 = arith.fptosi %get3A_46 : vector<16xf32> to vector<16xi32>
      %add3A_48 = arith.constant 1 : i32
      %add3A_49 = vector.broadcast %add3A_48 : i32 to vector<16xi32>
      %add3A_50 = arith.addi %convert_element_type3A_47, %add3A_49 : vector<16xi32>
      %min3A_51 = arith.constant 24 : i32
      %min3A_52 = vector.broadcast %min3A_51 : i32 to vector<16xi32>
      %min3A_53 = arith.minsi %add3A_50, %min3A_52 : vector<16xi32>
      %swap3A_54 = arith.index_cast %mul3A_30 : i32 to index
      %swap3A_55 = tpu.vector_load %arg12[%swap3A_54] {strides = array<i32>} : memref<512xi32, #tpu.memory_space<vmem>>, vector<16xi32>,
      tpu.vector_store %arg12[%swap3A_54], %min3A_53 {strides = array<i32>} : memref<512xi32, #tpu.memory_space<vmem>>, vector<16xi32>,
      %sub3A_56 = arith.constant 1.150000e+01 : f32
      %sub3A_57 = vector.broadcast %sub3A_56 : f32 to vector<16xf32>
      %sub3A_58 = arith.subf %get3A_46, %sub3A_57 : vector<16xf32>
      %mul3A_59 = arith.constant 0.150613114 : f32
      %mul3A_60 = vector.broadcast %mul3A_59 : f32 to vector<16xf32>
      %mul3A_61 = arith.mulf %sub3A_58, %mul3A_60 : vector<16xf32>
      %swap3A_62 = arith.index_cast %mul3A_30 : i32 to index
      %swap3A_63 = tpu.vector_load %arg19[%swap3A_62] {strides = array<i32>} : memref<512xf32, #tpu.memory_space<vmem>>, vector<16xf32>,
      tpu.vector_store %arg19[%swap3A_62], %mul3A_61 {strides = array<i32>} : memref<512xf32, #tpu.memory_space<vmem>>, vector<16xf32>,
      %get3A_64 = arith.index_cast %mul3A_30 : i32 to index
      %get3A_65 = tpu.vector_load %arg9[%get3A_64] {strides = array<i32>} : memref<512xi32, #tpu.memory_space<vmem>>, vector<16xi32>,
      %shift_right_arithmetic3A = arith.constant 2 : i32
      %shift_right_arithmetic3A_66 = vector.broadcast %shift_right_arithmetic3A : i32 to vector<16xi32>
      %shift_right_arithmetic3A_67 = arith.shrsi %get3A_65, %shift_right_arithmetic3A_66 : vector<16xi32>
      %swap3A_68 = arith.index_cast %mul3A_30 : i32 to index
      %swap3A_69 = tpu.vector_load %arg13[%swap3A_68] {strides = array<i32>} : memref<512xi32, #tpu.memory_space<vmem>>, vector<16xi32>,
      tpu.vector_store %arg13[%swap3A_68], %shift_right_arithmetic3A_67 {strides = array<i32>} : memref<512xi32, #tpu.memory_space<vmem>>, vector<16xi32>,
      %and3A = arith.constant 3 : i32
      %and3A_70 = vector.broadcast %and3A : i32 to vector<16xi32>
      %and3A_71 = arith.andi %get3A_65, %and3A_70 : vector<16xi32>
      %shift_left3A = arith.constant 5 : i32
      %shift_left3A_72 = vector.broadcast %shift_left3A : i32 to vector<16xi32>
      %shift_left3A_73 = arith.shli %and3A_71, %shift_left3A_72 : vector<16xi32>
      %get3A_74 = arith.index_cast %mul3A_30 : i32 to index
      %get3A_75 = tpu.vector_load %arg10[%get3A_74] {strides = array<i32>} : memref<512xi32, #tpu.memory_space<vmem>>, vector<16xi32>,
      %shift_left3A_76 = arith.constant 12 : i32
      %shift_left3A_77 = vector.broadcast %shift_left3A_76 : i32 to vector<16xi32>
      %shift_left3A_78 = arith.shli %get3A_75, %shift_left3A_77 : vector<16xi32>
      %or3A = arith.ori %shift_left3A_73, %shift_left3A_78 : vector<16xi32>
      %swap3A_79 = arith.index_cast %mul3A_30 : i32 to index
      %swap3A_80 = tpu.vector_load %arg14[%swap3A_79] {strides = array<i32>} : memref<512xi32, #tpu.memory_space<vmem>>, vector<16xi32>,
      tpu.vector_store %arg14[%swap3A_79], %or3A {strides = array<i32>} : memref<512xi32, #tpu.memory_space<vmem>>, vector<16xi32>,
      %add3A_81 = arith.constant 65 : i32
      %add3A_82 = vector.broadcast %add3A_81 : i32 to vector<16xi32>
      %add3A_83 = arith.addi %min3A_36, %add3A_82 : vector<16xi32>
      %shift_left3A_84 = arith.constant 5 : i32
      %shift_left3A_85 = vector.broadcast %shift_left3A_84 : i32 to vector<16xi32>
      %shift_left3A_86 = arith.shli %add3A_83, %shift_left3A_85 : vector<16xi32>
      %add3A_87 = arith.constant 73 : i32
      %add3A_88 = vector.broadcast %add3A_87 : i32 to vector<16xi32>
      %add3A_89 = arith.addi %min3A_53, %add3A_88 : vector<16xi32>
      %shift_left3A_90 = arith.constant 22 : i32
      %shift_left3A_91 = vector.broadcast %shift_left3A_90 : i32 to vector<16xi32>
      %shift_left3A_92 = arith.shli %add3A_89, %shift_left3A_91 : vector<16xi32>
      %or3A_93 = arith.ori %shift_left3A_86, %shift_left3A_92 : vector<16xi32>
      %swap3A_94 = arith.index_cast %mul3A_30 : i32 to index
      %swap3A_95 = tpu.vector_load %arg15[%swap3A_94] {strides = array<i32>} : memref<512xi32, #tpu.memory_space<vmem>>, vector<16xi32>,
      tpu.vector_store %arg15[%swap3A_94], %or3A_93 {strides = array<i32>} : memref<512xi32, #tpu.memory_space<vmem>>, vector<16xi32>,
    }
    %scan3A_7 = arith.constant 32 : i32
    %iota3A = tpu.iota {dimensions = array<i32: 0>} : vector<16xi32>
    %dma_start3A = arith.constant 0 : i32
    %dma_start3A_8 = tpu.memref_slice %arg13[%dma_start3A] : memref<512xi32, #tpu.memory_space<vmem>> -> memref<64xi32, #tpu.memory_space<vmem>>
    %dma_start3A_9 = arith.constant 0 : i32
    %dma_start3A_10 = arith.constant 0 : i32
    %dma_start3A_11 = tpu.memref_slice %arg6[%dma_start3A_9, %dma_start3A_10] : memref<25000x128xf32, #tpu.memory_space<hbm>> -> memref<25000x128xf32, #tpu.memory_space<hbm>>
    tpu.enqueue_indirect_dma source(%dma_start3A_11 : memref<25000x128xf32, #tpu.memory_space<hbm>>) target(%arg21 : memref<64x128xf32, #tpu.memory_space<vmem>>) offsets(%dma_start3A_8 : memref<64xi32, #tpu.memory_space<vmem>>) semaphore(%arg25 : memref<!tpu.dma_semaphore, #tpu.memory_space<semaphore_mem>>)
    %scan3A_12 = arith.constant 0 : i32
    %scan3A_13 = arith.constant 4 : i32
    %scan3A_14 = arith.addi %scan3A_12, %scan3A_13 : i32
    %scan3A_15 = arith.constant 1 : i32
    scf.for %scan3A_28 = %scan3A_12 to %scan3A_14 step %scan3A_15  : i32 {
      %mul3A_29 = arith.constant 2 : i32
      %mul3A_30 = arith.muli %scan3A_28, %mul3A_29 : i32
      %add3A_31 = arith.constant 0 : i32
      %add3A_32 = arith.addi %add3A_31, %mul3A_30 : i32
      %add3A_33 = arith.constant 0 : i32
      %add3A_34 = arith.addi %add3A_32, %add3A_33 : i32
      %add3A_35 = arith.constant 1 : i32
      %add3A_36 = arith.addi %add3A_34, %add3A_35 : i32
      %lt3A = arith.constant 8 : i32
      %lt3A_37 = arith.cmpi slt, %add3A_36, %lt3A : i32
      %convert_element_type3A = arith.extui %lt3A_37 : i1 to i32
      %cond3A = arith.constant 0 : i32
      %cond3A_38 = arith.cmpi ne, %convert_element_type3A, %cond3A : i32
      scf.if %cond3A_38 {
        %add3A_94 = arith.constant 1 : i32
        %add3A_95 = arith.addi %add3A_34, %add3A_94 : i32
        %mul3A_96 = arith.constant 64 : i32
        %mul3A_97 = arith.muli %add3A_95, %mul3A_96 : i32
        %dma_start3A_98 = tpu.memref_slice %arg13[%mul3A_97] : memref<512xi32, #tpu.memory_space<vmem>> -> memref<64xi32, #tpu.memory_space<vmem>>
        %dma_start3A_99 = arith.constant 0 : i32
        %dma_start3A_100 = arith.constant 0 : i32
        %dma_start3A_101 = tpu.memref_slice %arg6[%dma_start3A_99, %dma_start3A_100] : memref<25000x128xf32, #tpu.memory_space<hbm>> -> memref<25000x128xf32, #tpu.memory_space<hbm>>
        tpu.enqueue_indirect_dma source(%dma_start3A_101 : memref<25000x128xf32, #tpu.memory_space<hbm>>) target(%arg22 : memref<64x128xf32, #tpu.memory_space<vmem>>) offsets(%dma_start3A_98 : memref<64xi32, #tpu.memory_space<vmem>>) semaphore(%arg26 : memref<!tpu.dma_semaphore, #tpu.memory_space<semaphore_mem>>)
      } else {
      }
      %mul3A_39 = arith.constant 64 : i32
      %mul3A_40 = arith.muli %add3A_34, %mul3A_39 : i32
      %dma_wait3A_41 = tpu.memref_slice %arg13[%mul3A_40] : memref<512xi32, #tpu.memory_space<vmem>> -> memref<64xi32, #tpu.memory_space<vmem>>
      %dma_wait3A_42 = arith.constant 0 : i32
      %dma_wait3A_43 = arith.constant 0 : i32
      %dma_wait3A_44 = tpu.memref_slice %arg6[%dma_wait3A_42, %dma_wait3A_43] : memref<25000x128xf32, #tpu.memory_space<hbm>> -> memref<25000x128xf32, #tpu.memory_space<hbm>>
      tpu.wait_indirect_dma semaphore(%arg25 : memref<!tpu.dma_semaphore, #tpu.memory_space<semaphore_mem>>) src(%dma_wait3A_44 : memref<25000x128xf32, #tpu.memory_space<hbm>>) dst(%arg21 : memref<64x128xf32, #tpu.memory_space<vmem>>)
      %ge3A = arith.constant 2 : i32
      %ge3A_45 = arith.cmpi sge, %add3A_34, %ge3A : i32
      %convert_element_type3A_46 = arith.extui %ge3A_45 : i1 to i32
      %cond3A_47 = arith.constant 0 : i32
      %cond3A_48 = arith.cmpi ne, %convert_element_type3A_46, %cond3A_47 : i32
      scf.if %cond3A_48 {
        %sub3A = arith.constant 2 : i32
        %sub3A_94 = arith.subi %add3A_34, %sub3A : i32
        %mul3A_95 = arith.constant 64 : i32
        %mul3A_96 = arith.muli %sub3A_94, %mul3A_95 : i32
        %add3A_97 = arith.addi %mul3A_2, %mul3A_96 : i32
        %dma_wait3A_98 = arith.constant 0 : i32
        %dma_wait3A_99 = tpu.memref_slice %arg8[%add3A_97, %dma_wait3A_98] : memref<16384x130xf32, #tpu.memory_space<hbm>> -> memref<64x130xf32, #tpu.memory_space<hbm>>
        %dma_wait3A_100 = arith.constant 0 : i32
        %dma_wait3A_101 = tpu.memref_slice %arg8[%add3A_97, %dma_wait3A_100] : memref<16384x130xf32, #tpu.memory_space<hbm>> -> memref<64x130xf32, #tpu.memory_space<hbm>>
        tpu.wait_dma2 semaphore(%arg27 : memref<!tpu.dma_semaphore, #tpu.memory_space<semaphore_mem>>) src(%arg23 : memref<64x130xf32, #tpu.memory_space<vmem>>) dst(%dma_wait3A_101 : memref<64x130xf32, #tpu.memory_space<hbm>>)
      } else {
      }
      %parallel_loop3A = arith.constant 0 : i32
      %parallel_loop3A_49 = arith.constant 4 : i32
      %parallel_loop3A_50 = arith.constant 1 : i32
      scf.for %parallel_loop3A_94 = %parallel_loop3A to %parallel_loop3A_49 step %parallel_loop3A_50  : i32 {
        %parallel_loop3A_95 = arith.constant 64 : i32
        %parallel_loop3A_96 = arith.muli %add3A_34, %parallel_loop3A_95 : i32
        %parallel_loop3A_97 = arith.constant 16 : i32
        %parallel_loop3A_98 = arith.muli %parallel_loop3A_94, %parallel_loop3A_97 : i32
        %parallel_loop3A_99 = arith.addi %parallel_loop3A_96, %parallel_loop3A_98 : i32
        %parallel_loop3A_100 = arith.constant 16 : i32
        %parallel_loop3A_101 = arith.muli %parallel_loop3A_94, %parallel_loop3A_100 : i32
        %parallel_loop3A_102 = vector.broadcast %parallel_loop3A_101 : i32 to vector<16xi32>
        %parallel_loop3A_103 = arith.addi %iota3A, %parallel_loop3A_102 : vector<16xi32>
        %parallel_loop3A_104 = arith.constant 96 : i32
        %parallel_loop3A_105 = vector.broadcast %parallel_loop3A_104 : i32 to vector<16xi32>
        %parallel_loop3A_106 = arith.index_cast %parallel_loop3A_99 : i32 to index
        %parallel_loop3A_107 = tpu.vector_load %arg18[%parallel_loop3A_106] {strides = array<i32>} : memref<512xf32, #tpu.memory_space<vmem>>, vector<16xf32>,
        tpu.vector_store_idx %arg23[%parallel_loop3A_103, %parallel_loop3A_105], %parallel_loop3A_107 : memref<64x130xf32, #tpu.memory_space<vmem>>[vector<16xi32>, vector<16xi32>], vector<16xf32>,
        %parallel_loop3A_108 = arith.constant 129 : i32
        %parallel_loop3A_109 = vector.broadcast %parallel_loop3A_108 : i32 to vector<16xi32>
        %parallel_loop3A_110 = arith.index_cast %parallel_loop3A_99 : i32 to index
        %parallel_loop3A_111 = tpu.vector_load %arg19[%parallel_loop3A_110] {strides = array<i32>} : memref<512xf32, #tpu.memory_space<vmem>>, vector<16xf32>,
        tpu.vector_store_idx %arg23[%parallel_loop3A_103, %parallel_loop3A_109], %parallel_loop3A_111 : memref<64x130xf32, #tpu.memory_space<vmem>>[vector<16xi32>, vector<16xi32>], vector<16xf32>,
      } {sc.loop_unroll_factor = 1 : i64, sc.parallel_access}
      %parallel_loop3A_51 = arith.constant 0 : i32
      %parallel_loop3A_52 = arith.constant 64 : i32
      %parallel_loop3A_53 = arith.constant 1 : i32
      scf.for %parallel_loop3A_94 = %parallel_loop3A_51 to %parallel_loop3A_52 step %parallel_loop3A_53  : i32 {
        %parallel_loop3A_95 = arith.constant 64 : i32
        %parallel_loop3A_96 = arith.muli %add3A_34, %parallel_loop3A_95 : i32
        %parallel_loop3A_97 = arith.addi %parallel_loop3A_96, %parallel_loop3A_94 : i32
        %parallel_loop3A_98 = vector.broadcast %parallel_loop3A_97 : i32 to vector<16xi32>
        %parallel_loop3A_99 = tpu.vector_load_idx %arg14[%parallel_loop3A_98] : memref<512xi32, #tpu.memory_space<vmem>>[vector<16xi32>], vector<16xi32>,
        %parallel_loop3A_100 = tpu.vector_load_idx %arg15[%parallel_loop3A_98] : memref<512xi32, #tpu.memory_space<vmem>>[vector<16xi32>], vector<16xi32>,
        %parallel_loop3A_101 = vector.broadcast %parallel_loop3A_94 : i32 to vector<16xi32>
        %parallel_loop3A_102 = arith.constant 127 : i32
        %parallel_loop3A_103 = vector.broadcast %parallel_loop3A_102 : i32 to vector<16xi32>
        %parallel_loop3A_104 = arith.andi %parallel_loop3A_99, %parallel_loop3A_103 : vector<16xi32>
        %parallel_loop3A_105 = arith.addi %parallel_loop3A_104, %iota3A : vector<16xi32>
        %parallel_loop3A_106 = arith.constant 7 : i32
        %parallel_loop3A_107 = vector.broadcast %parallel_loop3A_106 : i32 to vector<16xi32>
        %parallel_loop3A_108 = arith.shrsi %parallel_loop3A_99, %parallel_loop3A_107 : vector<16xi32>
        %parallel_loop3A_109 = arith.addi %parallel_loop3A_108, %iota3A : vector<16xi32>
        %parallel_loop3A_110 = arith.constant 131071 : i32
        %parallel_loop3A_111 = vector.broadcast %parallel_loop3A_110 : i32 to vector<16xi32>
        %parallel_loop3A_112 = arith.andi %parallel_loop3A_100, %parallel_loop3A_111 : vector<16xi32>
        %parallel_loop3A_113 = arith.addi %parallel_loop3A_112, %iota3A : vector<16xi32>
        %parallel_loop3A_114 = arith.constant 17 : i32
        %parallel_loop3A_115 = vector.broadcast %parallel_loop3A_114 : i32 to vector<16xi32>
        %parallel_loop3A_116 = arith.shrsi %parallel_loop3A_100, %parallel_loop3A_115 : vector<16xi32>
        %parallel_loop3A_117 = arith.addi %parallel_loop3A_116, %iota3A : vector<16xi32>
        %parallel_loop3A_118 = arith.constant 0 : i32
        %parallel_loop3A_119 = vector.broadcast %parallel_loop3A_118 : i32 to vector<16xi32>
        %parallel_loop3A_120 = arith.addi %parallel_loop3A_105, %parallel_loop3A_119 : vector<16xi32>
        %parallel_loop3A_121 = tpu.vector_load_idx %arg21[%parallel_loop3A_101, %parallel_loop3A_120] : memref<64x128xf32, #tpu.memory_space<vmem>>[vector<16xi32>, vector<16xi32>], vector<16xf32>,
        %parallel_loop3A_122 = arith.constant 0 : i32
        %parallel_loop3A_123 = vector.broadcast %parallel_loop3A_122 : i32 to vector<16xi32>
        %parallel_loop3A_124 = arith.addi %iota3A, %parallel_loop3A_123 : vector<16xi32>
        tpu.vector_store_idx %arg23[%parallel_loop3A_101, %parallel_loop3A_124], %parallel_loop3A_121 : memref<64x130xf32, #tpu.memory_space<vmem>>[vector<16xi32>, vector<16xi32>], vector<16xf32>,
        %parallel_loop3A_125 = arith.constant 0 : i32
        %parallel_loop3A_126 = vector.broadcast %parallel_loop3A_125 : i32 to vector<16xi32>
        %parallel_loop3A_127 = arith.addi %parallel_loop3A_109, %parallel_loop3A_126 : vector<16xi32>
        %parallel_loop3A_128 = tpu.vector_load_idx %arg20[%parallel_loop3A_127] : memref<3136xf32, #tpu.memory_space<vmem>>[vector<16xi32>], vector<16xf32>,
        %parallel_loop3A_129 = arith.constant 32 : i32
        %parallel_loop3A_130 = vector.broadcast %parallel_loop3A_129 : i32 to vector<16xi32>
        %parallel_loop3A_131 = arith.addi %iota3A, %parallel_loop3A_130 : vector<16xi32>
        tpu.vector_store_idx %arg23[%parallel_loop3A_101, %parallel_loop3A_131], %parallel_loop3A_128 : memref<64x130xf32, #tpu.memory_space<vmem>>[vector<16xi32>, vector<16xi32>], vector<16xf32>,
        %parallel_loop3A_132 = arith.constant 0 : i32
        %parallel_loop3A_133 = vector.broadcast %parallel_loop3A_132 : i32 to vector<16xi32>
        %parallel_loop3A_134 = arith.addi %parallel_loop3A_113, %parallel_loop3A_133 : vector<16xi32>
        %parallel_loop3A_135 = tpu.vector_load_idx %arg20[%parallel_loop3A_134] : memref<3136xf32, #tpu.memory_space<vmem>>[vector<16xi32>], vector<16xf32>,
        %parallel_loop3A_136 = arith.constant 64 : i32
        %parallel_loop3A_137 = vector.broadcast %parallel_loop3A_136 : i32 to vector<16xi32>
        %parallel_loop3A_138 = arith.addi %iota3A, %parallel_loop3A_137 : vector<16xi32>
        tpu.vector_store_idx %arg23[%parallel_loop3A_101, %parallel_loop3A_138], %parallel_loop3A_135 : memref<64x130xf32, #tpu.memory_space<vmem>>[vector<16xi32>, vector<16xi32>], vector<16xf32>,
        %parallel_loop3A_139 = arith.constant 0 : i32
        %parallel_loop3A_140 = vector.broadcast %parallel_loop3A_139 : i32 to vector<16xi32>
        %parallel_loop3A_141 = arith.addi %parallel_loop3A_117, %parallel_loop3A_140 : vector<16xi32>
        %parallel_loop3A_142 = tpu.vector_load_idx %arg20[%parallel_loop3A_141] : memref<3136xf32, #tpu.memory_space<vmem>>[vector<16xi32>], vector<16xf32>,
        %parallel_loop3A_143 = arith.constant 97 : i32
        %parallel_loop3A_144 = vector.broadcast %parallel_loop3A_143 : i32 to vector<16xi32>
        %parallel_loop3A_145 = arith.addi %iota3A, %parallel_loop3A_144 : vector<16xi32>
        tpu.vector_store_idx %arg23[%parallel_loop3A_101, %parallel_loop3A_145], %parallel_loop3A_142 : memref<64x130xf32, #tpu.memory_space<vmem>>[vector<16xi32>, vector<16xi32>], vector<16xf32>,
        %parallel_loop3A_146 = arith.constant 16 : i32
        %parallel_loop3A_147 = vector.broadcast %parallel_loop3A_146 : i32 to vector<16xi32>
        %parallel_loop3A_148 = arith.addi %parallel_loop3A_105, %parallel_loop3A_147 : vector<16xi32>
        %parallel_loop3A_149 = tpu.vector_load_idx %arg21[%parallel_loop3A_101, %parallel_loop3A_148] : memref<64x128xf32, #tpu.memory_space<vmem>>[vector<16xi32>, vector<16xi32>], vector<16xf32>,
        %parallel_loop3A_150 = arith.constant 16 : i32
        %parallel_loop3A_151 = vector.broadcast %parallel_loop3A_150 : i32 to vector<16xi32>
        %parallel_loop3A_152 = arith.addi %iota3A, %parallel_loop3A_151 : vector<16xi32>
        tpu.vector_store_idx %arg23[%parallel_loop3A_101, %parallel_loop3A_152], %parallel_loop3A_149 : memref<64x130xf32, #tpu.memory_space<vmem>>[vector<16xi32>, vector<16xi32>], vector<16xf32>,
        %parallel_loop3A_153 = arith.constant 16 : i32
        %parallel_loop3A_154 = vector.broadcast %parallel_loop3A_153 : i32 to vector<16xi32>
        %parallel_loop3A_155 = arith.addi %parallel_loop3A_109, %parallel_loop3A_154 : vector<16xi32>
        %parallel_loop3A_156 = tpu.vector_load_idx %arg20[%parallel_loop3A_155] : memref<3136xf32, #tpu.memory_space<vmem>>[vector<16xi32>], vector<16xf32>,
        %parallel_loop3A_157 = arith.constant 48 : i32
        %parallel_loop3A_158 = vector.broadcast %parallel_loop3A_157 : i32 to vector<16xi32>
        %parallel_loop3A_159 = arith.addi %iota3A, %parallel_loop3A_158 : vector<16xi32>
        tpu.vector_store_idx %arg23[%parallel_loop3A_101, %parallel_loop3A_159], %parallel_loop3A_156 : memref<64x130xf32, #tpu.memory_space<vmem>>[vector<16xi32>, vector<16xi32>], vector<16xf32>,
        %parallel_loop3A_160 = arith.constant 16 : i32
        %parallel_loop3A_161 = vector.broadcast %parallel_loop3A_160 : i32 to vector<16xi32>
        %parallel_loop3A_162 = arith.addi %parallel_loop3A_113, %parallel_loop3A_161 : vector<16xi32>
        %parallel_loop3A_163 = tpu.vector_load_idx %arg20[%parallel_loop3A_162] : memref<3136xf32, #tpu.memory_space<vmem>>[vector<16xi32>], vector<16xf32>,
        %parallel_loop3A_164 = arith.constant 80 : i32
        %parallel_loop3A_165 = vector.broadcast %parallel_loop3A_164 : i32 to vector<16xi32>
        %parallel_loop3A_166 = arith.addi %iota3A, %parallel_loop3A_165 : vector<16xi32>
        tpu.vector_store_idx %arg23[%parallel_loop3A_101, %parallel_loop3A_166], %parallel_loop3A_163 : memref<64x130xf32, #tpu.memory_space<vmem>>[vector<16xi32>, vector<16xi32>], vector<16xf32>,
        %parallel_loop3A_167 = arith.constant 16 : i32
        %parallel_loop3A_168 = vector.broadcast %parallel_loop3A_167 : i32 to vector<16xi32>
        %parallel_loop3A_169 = arith.addi %parallel_loop3A_117, %parallel_loop3A_168 : vector<16xi32>
        %parallel_loop3A_170 = tpu.vector_load_idx %arg20[%parallel_loop3A_169] : memref<3136xf32, #tpu.memory_space<vmem>>[vector<16xi32>], vector<16xf32>,
        %parallel_loop3A_171 = arith.constant 113 : i32
        %parallel_loop3A_172 = vector.broadcast %parallel_loop3A_171 : i32 to vector<16xi32>
        %parallel_loop3A_173 = arith.addi %iota3A, %parallel_loop3A_172 : vector<16xi32>
        tpu.vector_store_idx %arg23[%parallel_loop3A_101, %parallel_loop3A_173], %parallel_loop3A_170 : memref<64x130xf32, #tpu.memory_space<vmem>>[vector<16xi32>, vector<16xi32>], vector<16xf32>,
      } {sc.loop_unroll_factor = 16 : i64, sc.parallel_access}
      %mul3A_54 = arith.constant 64 : i32
      %mul3A_55 = arith.muli %add3A_34, %mul3A_54 : i32
      %add3A_56 = arith.addi %mul3A_2, %mul3A_55 : i32
      %dma_start3A_57 = arith.constant 0 : i32
      %dma_start3A_58 = tpu.memref_slice %arg8[%add3A_56, %dma_start3A_57] : memref<16384x130xf32, #tpu.memory_space<hbm>> -> memref<64x130xf32, #tpu.memory_space<hbm>>
      %dma_start3A_59 = arith.constant 0 : i32
      %dma_start3A_60 = tpu.memref_slice %arg8[%add3A_56, %dma_start3A_59] : memref<16384x130xf32, #tpu.memory_space<hbm>> -> memref<64x130xf32, #tpu.memory_space<hbm>>
      tpu.enqueue_dma source(%arg23 : memref<64x130xf32, #tpu.memory_space<vmem>>) target(%dma_start3A_60 : memref<64x130xf32, #tpu.memory_space<hbm>>) target_semaphore(%arg27 : memref<!tpu.dma_semaphore, #tpu.memory_space<semaphore_mem>>)
      %add3A_61 = arith.constant 1 : i32
      %add3A_62 = arith.addi %add3A_32, %add3A_61 : i32
      %add3A_63 = arith.constant 1 : i32
      %add3A_64 = arith.addi %add3A_62, %add3A_63 : i32
      %lt3A_65 = arith.constant 8 : i32
      %lt3A_66 = arith.cmpi slt, %add3A_64, %lt3A_65 : i32
      %convert_element_type3A_67 = arith.extui %lt3A_66 : i1 to i32
      %cond3A_68 = arith.constant 0 : i32
      %cond3A_69 = arith.cmpi ne, %convert_element_type3A_67, %cond3A_68 : i32
      scf.if %cond3A_69 {
        %add3A_94 = arith.constant 1 : i32
        %add3A_95 = arith.addi %add3A_62, %add3A_94 : i32
        %mul3A_96 = arith.constant 64 : i32
        %mul3A_97 = arith.muli %add3A_95, %mul3A_96 : i32
        %dma_start3A_98 = tpu.memref_slice %arg13[%mul3A_97] : memref<512xi32, #tpu.memory_space<vmem>> -> memref<64xi32, #tpu.memory_space<vmem>>
        %dma_start3A_99 = arith.constant 0 : i32
        %dma_start3A_100 = arith.constant 0 : i32
        %dma_start3A_101 = tpu.memref_slice %arg6[%dma_start3A_99, %dma_start3A_100] : memref<25000x128xf32, #tpu.memory_space<hbm>> -> memref<25000x128xf32, #tpu.memory_space<hbm>>
        tpu.enqueue_indirect_dma source(%dma_start3A_101 : memref<25000x128xf32, #tpu.memory_space<hbm>>) target(%arg21 : memref<64x128xf32, #tpu.memory_space<vmem>>) offsets(%dma_start3A_98 : memref<64xi32, #tpu.memory_space<vmem>>) semaphore(%arg25 : memref<!tpu.dma_semaphore, #tpu.memory_space<semaphore_mem>>)
      } else {
      }
      %mul3A_70 = arith.constant 64 : i32
      %mul3A_71 = arith.muli %add3A_62, %mul3A_70 : i32
      %dma_wait3A_72 = tpu.memref_slice %arg13[%mul3A_71] : memref<512xi32, #tpu.memory_space<vmem>> -> memref<64xi32, #tpu.memory_space<vmem>>
      %dma_wait3A_73 = arith.constant 0 : i32
      %dma_wait3A_74 = arith.constant 0 : i32
      %dma_wait3A_75 = tpu.memref_slice %arg6[%dma_wait3A_73, %dma_wait3A_74] : memref<25000x128xf32, #tpu.memory_space<hbm>> -> memref<25000x128xf32, #tpu.memory_space<hbm>>
      tpu.wait_indirect_dma semaphore(%arg26 : memref<!tpu.dma_semaphore, #tpu.memory_space<semaphore_mem>>) src(%dma_wait3A_75 : memref<25000x128xf32, #tpu.memory_space<hbm>>) dst(%arg22 : memref<64x128xf32, #tpu.memory_space<vmem>>)
      %ge3A_76 = arith.constant 2 : i32
      %ge3A_77 = arith.cmpi sge, %add3A_62, %ge3A_76 : i32
      %convert_element_type3A_78 = arith.extui %ge3A_77 : i1 to i32
      %cond3A_79 = arith.constant 0 : i32
      %cond3A_80 = arith.cmpi ne, %convert_element_type3A_78, %cond3A_79 : i32
      scf.if %cond3A_80 {
        %sub3A = arith.constant 2 : i32
        %sub3A_94 = arith.subi %add3A_62, %sub3A : i32
        %mul3A_95 = arith.constant 64 : i32
        %mul3A_96 = arith.muli %sub3A_94, %mul3A_95 : i32
        %add3A_97 = arith.addi %mul3A_2, %mul3A_96 : i32
        %dma_wait3A_98 = arith.constant 0 : i32
        %dma_wait3A_99 = tpu.memref_slice %arg8[%add3A_97, %dma_wait3A_98] : memref<16384x130xf32, #tpu.memory_space<hbm>> -> memref<64x130xf32, #tpu.memory_space<hbm>>
        %dma_wait3A_100 = arith.constant 0 : i32
        %dma_wait3A_101 = tpu.memref_slice %arg8[%add3A_97, %dma_wait3A_100] : memref<16384x130xf32, #tpu.memory_space<hbm>> -> memref<64x130xf32, #tpu.memory_space<hbm>>
        tpu.wait_dma2 semaphore(%arg28 : memref<!tpu.dma_semaphore, #tpu.memory_space<semaphore_mem>>) src(%arg24 : memref<64x130xf32, #tpu.memory_space<vmem>>) dst(%dma_wait3A_101 : memref<64x130xf32, #tpu.memory_space<hbm>>)
      } else {
      }
      %parallel_loop3A_81 = arith.constant 0 : i32
      %parallel_loop3A_82 = arith.constant 4 : i32
      %parallel_loop3A_83 = arith.constant 1 : i32
      scf.for %parallel_loop3A_94 = %parallel_loop3A_81 to %parallel_loop3A_82 step %parallel_loop3A_83  : i32 {
        %parallel_loop3A_95 = arith.constant 64 : i32
        %parallel_loop3A_96 = arith.muli %add3A_62, %parallel_loop3A_95 : i32
        %parallel_loop3A_97 = arith.constant 16 : i32
        %parallel_loop3A_98 = arith.muli %parallel_loop3A_94, %parallel_loop3A_97 : i32
        %parallel_loop3A_99 = arith.addi %parallel_loop3A_96, %parallel_loop3A_98 : i32
        %parallel_loop3A_100 = arith.constant 16 : i32
        %parallel_loop3A_101 = arith.muli %parallel_loop3A_94, %parallel_loop3A_100 : i32
        %parallel_loop3A_102 = vector.broadcast %parallel_loop3A_101 : i32 to vector<16xi32>
        %parallel_loop3A_103 = arith.addi %iota3A, %parallel_loop3A_102 : vector<16xi32>
        %parallel_loop3A_104 = arith.constant 96 : i32
        %parallel_loop3A_105 = vector.broadcast %parallel_loop3A_104 : i32 to vector<16xi32>
        %parallel_loop3A_106 = arith.index_cast %parallel_loop3A_99 : i32 to index
        %parallel_loop3A_107 = tpu.vector_load %arg18[%parallel_loop3A_106] {strides = array<i32>} : memref<512xf32, #tpu.memory_space<vmem>>, vector<16xf32>,
        tpu.vector_store_idx %arg24[%parallel_loop3A_103, %parallel_loop3A_105], %parallel_loop3A_107 : memref<64x130xf32, #tpu.memory_space<vmem>>[vector<16xi32>, vector<16xi32>], vector<16xf32>,
        %parallel_loop3A_108 = arith.constant 129 : i32
        %parallel_loop3A_109 = vector.broadcast %parallel_loop3A_108 : i32 to vector<16xi32>
        %parallel_loop3A_110 = arith.index_cast %parallel_loop3A_99 : i32 to index
        %parallel_loop3A_111 = tpu.vector_load %arg19[%parallel_loop3A_110] {strides = array<i32>} : memref<512xf32, #tpu.memory_space<vmem>>, vector<16xf32>,
        tpu.vector_store_idx %arg24[%parallel_loop3A_103, %parallel_loop3A_109], %parallel_loop3A_111 : memref<64x130xf32, #tpu.memory_space<vmem>>[vector<16xi32>, vector<16xi32>], vector<16xf32>,
      } {sc.loop_unroll_factor = 1 : i64, sc.parallel_access}
      %parallel_loop3A_84 = arith.constant 0 : i32
      %parallel_loop3A_85 = arith.constant 64 : i32
      %parallel_loop3A_86 = arith.constant 1 : i32
      scf.for %parallel_loop3A_94 = %parallel_loop3A_84 to %parallel_loop3A_85 step %parallel_loop3A_86  : i32 {
        %parallel_loop3A_95 = arith.constant 64 : i32
        %parallel_loop3A_96 = arith.muli %add3A_62, %parallel_loop3A_95 : i32
        %parallel_loop3A_97 = arith.addi %parallel_loop3A_96, %parallel_loop3A_94 : i32
        %parallel_loop3A_98 = vector.broadcast %parallel_loop3A_97 : i32 to vector<16xi32>
        %parallel_loop3A_99 = tpu.vector_load_idx %arg14[%parallel_loop3A_98] : memref<512xi32, #tpu.memory_space<vmem>>[vector<16xi32>], vector<16xi32>,
        %parallel_loop3A_100 = tpu.vector_load_idx %arg15[%parallel_loop3A_98] : memref<512xi32, #tpu.memory_space<vmem>>[vector<16xi32>], vector<16xi32>,
        %parallel_loop3A_101 = vector.broadcast %parallel_loop3A_94 : i32 to vector<16xi32>
        %parallel_loop3A_102 = arith.constant 127 : i32
        %parallel_loop3A_103 = vector.broadcast %parallel_loop3A_102 : i32 to vector<16xi32>
        %parallel_loop3A_104 = arith.andi %parallel_loop3A_99, %parallel_loop3A_103 : vector<16xi32>
        %parallel_loop3A_105 = arith.addi %parallel_loop3A_104, %iota3A : vector<16xi32>
        %parallel_loop3A_106 = arith.constant 7 : i32
        %parallel_loop3A_107 = vector.broadcast %parallel_loop3A_106 : i32 to vector<16xi32>
        %parallel_loop3A_108 = arith.shrsi %parallel_loop3A_99, %parallel_loop3A_107 : vector<16xi32>
        %parallel_loop3A_109 = arith.addi %parallel_loop3A_108, %iota3A : vector<16xi32>
        %parallel_loop3A_110 = arith.constant 131071 : i32
        %parallel_loop3A_111 = vector.broadcast %parallel_loop3A_110 : i32 to vector<16xi32>
        %parallel_loop3A_112 = arith.andi %parallel_loop3A_100, %parallel_loop3A_111 : vector<16xi32>
        %parallel_loop3A_113 = arith.addi %parallel_loop3A_112, %iota3A : vector<16xi32>
        %parallel_loop3A_114 = arith.constant 17 : i32
        %parallel_loop3A_115 = vector.broadcast %parallel_loop3A_114 : i32 to vector<16xi32>
        %parallel_loop3A_116 = arith.shrsi %parallel_loop3A_100, %parallel_loop3A_115 : vector<16xi32>
        %parallel_loop3A_117 = arith.addi %parallel_loop3A_116, %iota3A : vector<16xi32>
        %parallel_loop3A_118 = arith.constant 0 : i32
        %parallel_loop3A_119 = vector.broadcast %parallel_loop3A_118 : i32 to vector<16xi32>
        %parallel_loop3A_120 = arith.addi %parallel_loop3A_105, %parallel_loop3A_119 : vector<16xi32>
        %parallel_loop3A_121 = tpu.vector_load_idx %arg22[%parallel_loop3A_101, %parallel_loop3A_120] : memref<64x128xf32, #tpu.memory_space<vmem>>[vector<16xi32>, vector<16xi32>], vector<16xf32>,
        %parallel_loop3A_122 = arith.constant 0 : i32
        %parallel_loop3A_123 = vector.broadcast %parallel_loop3A_122 : i32 to vector<16xi32>
        %parallel_loop3A_124 = arith.addi %iota3A, %parallel_loop3A_123 : vector<16xi32>
        tpu.vector_store_idx %arg24[%parallel_loop3A_101, %parallel_loop3A_124], %parallel_loop3A_121 : memref<64x130xf32, #tpu.memory_space<vmem>>[vector<16xi32>, vector<16xi32>], vector<16xf32>,
        %parallel_loop3A_125 = arith.constant 0 : i32
        %parallel_loop3A_126 = vector.broadcast %parallel_loop3A_125 : i32 to vector<16xi32>
        %parallel_loop3A_127 = arith.addi %parallel_loop3A_109, %parallel_loop3A_126 : vector<16xi32>
        %parallel_loop3A_128 = tpu.vector_load_idx %arg20[%parallel_loop3A_127] : memref<3136xf32, #tpu.memory_space<vmem>>[vector<16xi32>], vector<16xf32>,
        %parallel_loop3A_129 = arith.constant 32 : i32
        %parallel_loop3A_130 = vector.broadcast %parallel_loop3A_129 : i32 to vector<16xi32>
        %parallel_loop3A_131 = arith.addi %iota3A, %parallel_loop3A_130 : vector<16xi32>
        tpu.vector_store_idx %arg24[%parallel_loop3A_101, %parallel_loop3A_131], %parallel_loop3A_128 : memref<64x130xf32, #tpu.memory_space<vmem>>[vector<16xi32>, vector<16xi32>], vector<16xf32>,
        %parallel_loop3A_132 = arith.constant 0 : i32
        %parallel_loop3A_133 = vector.broadcast %parallel_loop3A_132 : i32 to vector<16xi32>
        %parallel_loop3A_134 = arith.addi %parallel_loop3A_113, %parallel_loop3A_133 : vector<16xi32>
        %parallel_loop3A_135 = tpu.vector_load_idx %arg20[%parallel_loop3A_134] : memref<3136xf32, #tpu.memory_space<vmem>>[vector<16xi32>], vector<16xf32>,
        %parallel_loop3A_136 = arith.constant 64 : i32
        %parallel_loop3A_137 = vector.broadcast %parallel_loop3A_136 : i32 to vector<16xi32>
        %parallel_loop3A_138 = arith.addi %iota3A, %parallel_loop3A_137 : vector<16xi32>
        tpu.vector_store_idx %arg24[%parallel_loop3A_101, %parallel_loop3A_138], %parallel_loop3A_135 : memref<64x130xf32, #tpu.memory_space<vmem>>[vector<16xi32>, vector<16xi32>], vector<16xf32>,
        %parallel_loop3A_139 = arith.constant 0 : i32
        %parallel_loop3A_140 = vector.broadcast %parallel_loop3A_139 : i32 to vector<16xi32>
        %parallel_loop3A_141 = arith.addi %parallel_loop3A_117, %parallel_loop3A_140 : vector<16xi32>
        %parallel_loop3A_142 = tpu.vector_load_idx %arg20[%parallel_loop3A_141] : memref<3136xf32, #tpu.memory_space<vmem>>[vector<16xi32>], vector<16xf32>,
        %parallel_loop3A_143 = arith.constant 97 : i32
        %parallel_loop3A_144 = vector.broadcast %parallel_loop3A_143 : i32 to vector<16xi32>
        %parallel_loop3A_145 = arith.addi %iota3A, %parallel_loop3A_144 : vector<16xi32>
        tpu.vector_store_idx %arg24[%parallel_loop3A_101, %parallel_loop3A_145], %parallel_loop3A_142 : memref<64x130xf32, #tpu.memory_space<vmem>>[vector<16xi32>, vector<16xi32>], vector<16xf32>,
        %parallel_loop3A_146 = arith.constant 16 : i32
        %parallel_loop3A_147 = vector.broadcast %parallel_loop3A_146 : i32 to vector<16xi32>
        %parallel_loop3A_148 = arith.addi %parallel_loop3A_105, %parallel_loop3A_147 : vector<16xi32>
        %parallel_loop3A_149 = tpu.vector_load_idx %arg22[%parallel_loop3A_101, %parallel_loop3A_148] : memref<64x128xf32, #tpu.memory_space<vmem>>[vector<16xi32>, vector<16xi32>], vector<16xf32>,
        %parallel_loop3A_150 = arith.constant 16 : i32
        %parallel_loop3A_151 = vector.broadcast %parallel_loop3A_150 : i32 to vector<16xi32>
        %parallel_loop3A_152 = arith.addi %iota3A, %parallel_loop3A_151 : vector<16xi32>
        tpu.vector_store_idx %arg24[%parallel_loop3A_101, %parallel_loop3A_152], %parallel_loop3A_149 : memref<64x130xf32, #tpu.memory_space<vmem>>[vector<16xi32>, vector<16xi32>], vector<16xf32>,
        %parallel_loop3A_153 = arith.constant 16 : i32
        %parallel_loop3A_154 = vector.broadcast %parallel_loop3A_153 : i32 to vector<16xi32>
        %parallel_loop3A_155 = arith.addi %parallel_loop3A_109, %parallel_loop3A_154 : vector<16xi32>
        %parallel_loop3A_156 = tpu.vector_load_idx %arg20[%parallel_loop3A_155] : memref<3136xf32, #tpu.memory_space<vmem>>[vector<16xi32>], vector<16xf32>,
        %parallel_loop3A_157 = arith.constant 48 : i32
        %parallel_loop3A_158 = vector.broadcast %parallel_loop3A_157 : i32 to vector<16xi32>
        %parallel_loop3A_159 = arith.addi %iota3A, %parallel_loop3A_158 : vector<16xi32>
        tpu.vector_store_idx %arg24[%parallel_loop3A_101, %parallel_loop3A_159], %parallel_loop3A_156 : memref<64x130xf32, #tpu.memory_space<vmem>>[vector<16xi32>, vector<16xi32>], vector<16xf32>,
        %parallel_loop3A_160 = arith.constant 16 : i32
        %parallel_loop3A_161 = vector.broadcast %parallel_loop3A_160 : i32 to vector<16xi32>
        %parallel_loop3A_162 = arith.addi %parallel_loop3A_113, %parallel_loop3A_161 : vector<16xi32>
        %parallel_loop3A_163 = tpu.vector_load_idx %arg20[%parallel_loop3A_162] : memref<3136xf32, #tpu.memory_space<vmem>>[vector<16xi32>], vector<16xf32>,
        %parallel_loop3A_164 = arith.constant 80 : i32
        %parallel_loop3A_165 = vector.broadcast %parallel_loop3A_164 : i32 to vector<16xi32>
        %parallel_loop3A_166 = arith.addi %iota3A, %parallel_loop3A_165 : vector<16xi32>
        tpu.vector_store_idx %arg24[%parallel_loop3A_101, %parallel_loop3A_166], %parallel_loop3A_163 : memref<64x130xf32, #tpu.memory_space<vmem>>[vector<16xi32>, vector<16xi32>], vector<16xf32>,
        %parallel_loop3A_167 = arith.constant 16 : i32
        %parallel_loop3A_168 = vector.broadcast %parallel_loop3A_167 : i32 to vector<16xi32>
        %parallel_loop3A_169 = arith.addi %parallel_loop3A_117, %parallel_loop3A_168 : vector<16xi32>
        %parallel_loop3A_170 = tpu.vector_load_idx %arg20[%parallel_loop3A_169] : memref<3136xf32, #tpu.memory_space<vmem>>[vector<16xi32>], vector<16xf32>,
        %parallel_loop3A_171 = arith.constant 113 : i32
        %parallel_loop3A_172 = vector.broadcast %parallel_loop3A_171 : i32 to vector<16xi32>
        %parallel_loop3A_173 = arith.addi %iota3A, %parallel_loop3A_172 : vector<16xi32>
        tpu.vector_store_idx %arg24[%parallel_loop3A_101, %parallel_loop3A_173], %parallel_loop3A_170 : memref<64x130xf32, #tpu.memory_space<vmem>>[vector<16xi32>, vector<16xi32>], vector<16xf32>,
      } {sc.loop_unroll_factor = 16 : i64, sc.parallel_access}
      %mul3A_87 = arith.constant 64 : i32
      %mul3A_88 = arith.muli %add3A_62, %mul3A_87 : i32
      %add3A_89 = arith.addi %mul3A_2, %mul3A_88 : i32
      %dma_start3A_90 = arith.constant 0 : i32
      %dma_start3A_91 = tpu.memref_slice %arg8[%add3A_89, %dma_start3A_90] : memref<16384x130xf32, #tpu.memory_space<hbm>> -> memref<64x130xf32, #tpu.memory_space<hbm>>
      %dma_start3A_92 = arith.constant 0 : i32
      %dma_start3A_93 = tpu.memref_slice %arg8[%add3A_89, %dma_start3A_92] : memref<16384x130xf32, #tpu.memory_space<hbm>> -> memref<64x130xf32, #tpu.memory_space<hbm>>
      tpu.enqueue_dma source(%arg24 : memref<64x130xf32, #tpu.memory_space<vmem>>) target(%dma_start3A_93 : memref<64x130xf32, #tpu.memory_space<hbm>>) target_semaphore(%arg28 : memref<!tpu.dma_semaphore, #tpu.memory_space<semaphore_mem>>)
    }
    %scan3A_16 = arith.constant 4 : i32
    %add3A_17 = arith.constant 384 : i32
    %add3A_18 = arith.addi %mul3A_2, %add3A_17 : i32
    %dma_wait3A = arith.constant 0 : i32
    %dma_wait3A_19 = tpu.memref_slice %arg8[%add3A_18, %dma_wait3A] : memref<16384x130xf32, #tpu.memory_space<hbm>> -> memref<64x130xf32, #tpu.memory_space<hbm>>
    %dma_wait3A_20 = arith.constant 0 : i32
    %dma_wait3A_21 = tpu.memref_slice %arg8[%add3A_18, %dma_wait3A_20] : memref<16384x130xf32, #tpu.memory_space<hbm>> -> memref<64x130xf32, #tpu.memory_space<hbm>>
    tpu.wait_dma2 semaphore(%arg27 : memref<!tpu.dma_semaphore, #tpu.memory_space<semaphore_mem>>) src(%arg23 : memref<64x130xf32, #tpu.memory_space<vmem>>) dst(%dma_wait3A_21 : memref<64x130xf32, #tpu.memory_space<hbm>>)
    %add3A_22 = arith.constant 448 : i32
    %add3A_23 = arith.addi %mul3A_2, %add3A_22 : i32
    %dma_wait3A_24 = arith.constant 0 : i32
    %dma_wait3A_25 = tpu.memref_slice %arg8[%add3A_23, %dma_wait3A_24] : memref<16384x130xf32, #tpu.memory_space<hbm>> -> memref<64x130xf32, #tpu.memory_space<hbm>>
    %dma_wait3A_26 = arith.constant 0 : i32
    %dma_wait3A_27 = tpu.memref_slice %arg8[%add3A_23, %dma_wait3A_26] : memref<16384x130xf32, #tpu.memory_space<hbm>> -> memref<64x130xf32, #tpu.memory_space<hbm>>
    tpu.wait_dma2 semaphore(%arg28 : memref<!tpu.dma_semaphore, #tpu.memory_space<semaphore_mem>>) src(%arg24 : memref<64x130xf32, #tpu.memory_space<vmem>>) dst(%dma_wait3A_27 : memref<64x130xf32, #tpu.memory_space<hbm>>)
    return
  }
}

</mosaic_0001>

<sc_bundles>
// kernel: _run.3.cloned.1.call-start
scs
__scs_entry_jumppad:
0x0: {  	(pc) =	sbr.rel $0x88, $3  }
0x1: {  	(tag) =	ssettag $0x0;
	lr =	simm.s32 $0x1  }
0x2: {  	[smem:$0x3F99] =	sst lr;
	_ =	strace $0xD0000000  }
0x3: {  	_ = 	snop  }
0x4: {  	_ = 	snop  }
0x5: {  	_ = 	snop  }
0x6: {  	_ = 	snop  }
0x7: {  	_ = 	snop  }
__scs_overlays_trampoline_lowered:
0x8: {  	[smem:$0x3FA8] =	sst s0  }
0x9: {  	[smem:$0x3FA9] =	sst s1  }
0xa: {  	[smem:$0x3FAA] =	sst s2  }
0xb: {  	[smem:$0x3FAB] =	sst s3  }
0xc: {  	[smem:$0x3FAC] =	sst s4  }
0xd: {  	[smem:$0x3FAD] =	sst s5  }
0xe: {  	[smem:$0x3FAE] =	sst s6  }
0xf: {  	[smem:$0x3FAF] =	sst s7  }
0x10: {  	[smem:$0x3FB0] =	sst s8  }
0x11: {  	[smem:$0x3FB1] =	sst s9;
	s0 =	simm.s32 @!p0 $0x0  }
0x12: {  	s1 =	sld [smem:$0x3F97];
	s0 =	simm.s32 @p0 $0x1  }
0x13: {  	[smem:$0x3FB2] =	sst s0;
	s0 =	simm.s32 @!p1 $0x0  }
0x14: {  	s2 =	sld [smem:$0x3F96];
	s0 =	simm.s32 @p1 $0x1  }
0x15: {  	[smem:$0x3FB3] =	sst s0;
	s0 =	simm.s32 @!p2 $0x0  }
0x16: {  	s3 =	sld [smem:$0x3FDB];
	s0 =	simm.s32 @p2 $0x1  }
0x17: {  	s4 =	simm.s32 $0x1BF5;
	[smem:$0x3FB5] =	sst s0  }
0x18: {  	s0 =	sld [smem:$0x3F98];
	_ =	swait.ge [sflag:s4], $0x0  }
0x19: {  	s7 =	sld [smem:$0x3F99]  }
0x1a: {  	s8 =	sadd.s32 $0xFFFFE003, lr  }
0x1b: {  	s9 =	sadd.s32 $0xFFFFFEF7, lr;
	s5 =	simm.s32 $0xFFFFFFFF;
	p2 =	slt.u32 s8, $0xFFFFF086  }
0x1c: {  	p1 =	slt.u32 s9, $0xF7A;
	s5 =	simm.s32 @!p2 $0x0  }
0x1d: {  	s5 =	simm.s32 @p1 $0x1;
	p0 =	seq.s32 s7, s2  }
0x1e: {  	s7 =	smul.u32 @!p0 $0xF7A, s2;
	p2 =	seq.s32 @!p0 s5, $0x0  }
0x1f: {  	s9 =	smul.u32 $0xF7A, s1;
	s8 =	simm.s32 @!p0 $0x1BF5;
	p2 =	por !p2, p0  }
0x20: {  	[sflag:s8] =	ssyncset.s32 @!p0 $0xFFFFF086;
	s6 =	sadd.s32 @!p0 s3, s7;
	s7 =	simm.s32 @!p0 $0x108  }
0x21: {  	s3 =	sadd.s32 s3, s9;
	s6 =	sadd.s32 @!p0 $0x88, s6;
	s7 =	simm.s32 @p2 $0x1082  }
0x22: {  	[simem:s7], [sflag:s8] =	dma.local @!p0 [hbm:s6], $0xF7A  }
0x23: {  	s9 =	sor.u32 $0xD0000000, s2;
	s6 =	simm.s32 $0x108;
	_ =	swait.ge @!p0 [sflag:s8], $0x0  }
0x24: {  	s3 =	sadd.s32 $0x88, s3;
	s6 =	simm.s32 @!p1 $0x1082;
	[sflag:s4] =	ssyncset.s32 $0xFFFFF086  }
0x25: {  	[simem:s6], [sflag:s4] =	dma.local [hbm:s3], $0xF7A  }
0x26: {  	[smem:$0x3F99] =	sst s1;
	(tag) =	ssettag s2;
	_ =	strace s9  }
0x27: {  	s1 =	sld [smem:$0x3FA9]  }
0x28: {  	s2 =	sld [smem:$0x3FAA]  }
0x29: {  	s4 =	sld [smem:$0x3FAC]  }
0x2a: {  	p0 =	seq.s32 s5, $0x0;
	s5 =	sld [smem:$0x3FAD]  }
0x2b: {  	s6 =	sld [smem:$0x3FAE]  }
0x2c: {  	s7 =	sld [smem:$0x3FAF]  }
0x2d: {  	s3 =	simm.s32 $0x108;
	s8 =	sld [smem:$0x3FB0]  }
0x2e: {  	s3 =	simm.s32 @!p0 $0x1082;
	s9 =	sld [smem:$0x3FB1]  }
0x2f: {  	lr =	sadd.s32 s0, s3;
	s0 =	sld [smem:$0x3FA8]  }
0x30: {  	s3 =	sld [smem:$0x3FAB]  }
0x31: {  	[smem:$0x3FB4] =	sst s10  }
0x32: {  	s10 =	sld [smem:$0x3FB2];
	_ =	sdelay $0x3  }
0x33: {  	p0 =	seq.s32 s10, $0x1;
	s10 =	sld [smem:$0x3FB4];
	_ =	sdelay $0x3  }
0x34: {  	[smem:$0x3FB4] =	sst s10  }
0x35: {  	s10 =	sld [smem:$0x3FB3];
	_ =	sdelay $0x3  }
0x36: {  	p1 =	seq.s32 s10, $0x1;
	s10 =	sld [smem:$0x3FB4];
	_ =	sdelay $0x3  }
0x37: {  	[smem:$0x3FB4] =	sst s10  }
0x38: {  	s10 =	sld [smem:$0x3FB5]  }
0x39: {  	_ = 	snop;
	(pc) =	sbr.ind lr, $3  }
0x3a: {  	_ = 	snop  }
0x3b: {  	_ = 	snop  }
0x3c: {  	p2 =	seq.s32 s10, $0x1;
	s10 =	sld [smem:$0x3FB4]  }
0x3d: {  	_ =	shalt  }
0x3e: {  	_ =	shalt  }
0x3f: {  	_ =	shalt  }
0x40: {  	_ =	shalt  }
0x41: {  	_ =	shalt  }
0x42: {  	_ =	shalt  }
0x43: {  	_ =	shalt  }
0x44: {  	_ =	shalt  }
0x45: {  	_ =	shalt  }
0x46: {  	_ =	shalt  }
0x47: {  	_ =	shalt  }
0x48: {  	_ =	shalt  }
0x49: {  	_ =	shalt  }
0x4a: {  	_ =	shalt  }
0x4b: {  	_ =	shalt  }
0x4c: {  	_ =	shalt  }
0x4d: {  	_ =	shalt  }
0x4e: {  	_ =	shalt  }
0x4f: {  	_ =	shalt  }
0x50: {  	_ =	shalt  }
0x51: {  	_ =	shalt  }
0x52: {  	_ =	shalt  }
0x53: {  	_ =	shalt  }
0x54: {  	_ =	shalt  }
0x55: {  	_ =	shalt  }
0x56: {  	_ =	shalt  }
0x57: {  	_ =	shalt  }
0x58: {  	_ =	shalt  }
0x59: {  	_ =	shalt  }
0x5a: {  	_ =	shalt  }
0x5b: {  	_ =	shalt  }
0x5c: {  	_ =	shalt  }
0x5d: {  	_ =	shalt  }
0x5e: {  	_ =	shalt  }
0x5f: {  	_ =	shalt  }
0x60: {  	_ =	shalt  }
0x61: {  	_ =	shalt  }
0x62: {  	_ =	shalt  }
0x63: {  	_ =	shalt  }
0x64: {  	_ =	shalt  }
0x65: {  	_ =	shalt  }
0x66: {  	_ =	shalt  }
0x67: {  	_ =	shalt  }
0x68: {  	_ =	shalt  }
0x69: {  	_ =	shalt  }
0x6a: {  	_ =	shalt  }
0x6b: {  	_ =	shalt  }
0x6c: {  	_ =	shalt  }
0x6d: {  	_ =	shalt  }
0x6e: {  	_ =	shalt  }
0x6f: {  	_ =	shalt  }
0x70: {  	_ =	shalt  }
0x71: {  	_ =	shalt  }
0x72: {  	_ =	shalt  }
0x73: {  	_ =	shalt  }
0x74: {  	_ =	shalt  }
0x75: {  	_ =	shalt  }
0x76: {  	_ =	shalt  }
0x77: {  	_ =	shalt  }
0x78: {  	_ =	shalt  }
0x79: {  	_ =	shalt  }
0x7a: {  	_ =	shalt  }
0x7b: {  	_ =	shalt  }
0x7c: {  	_ =	shalt  }
0x7d: {  	_ =	shalt  }
0x7e: {  	_ =	shalt  }
0x7f: {  	_ =	shalt  }
0x80: {  	_ =	shalt  }
0x81: {  	_ =	shalt  }
0x82: {  	_ =	shalt  }
0x83: {  	_ =	shalt  }
0x84: {  	_ =	shalt  }
0x85: {  	_ =	shalt  }
0x86: {  	_ =	shalt  }
0x87: {  	_ =	shalt  }
.Lfunc_end0:
.L_simem_size_0:
called_computation_lowered:
.L_overlay_start_0:
0x88: {  	s2 =	sld [smem:$0x3FD9]  }
0x89: {  	s3 =	sld [smem:$0x3FFE];
	_ =	sdelay $0x1  }
0x8a: {  	s1 =	srdreg.scid  }
0x8b: {  	s0 =	sand.u32 $0x1, s1  }
0x8c: {  	s17 =	sshll.u32 s0, $0xA;
	s2 =	sadd.s32 s3, s2  }
0x8d: {  	s2 =	sadd.s32 s2, s17  }
0x8e: {  	[smem:$0x3FC0] =	sst s2  }
0x8f: {  	_ = 	snop  }
0x90: {  	s2 =	sld [smem:$0x3FC9]  }
0x91: {  	s18 =	sld [smem:$0x3FC8]  }
0x92: {  	s4 =	sld [smem:$0x3FC7]  }
0x93: {  	s5 =	sld [smem:$0x3FC6]  }
0x94: {  	s6 =	sld [smem:$0x3FD0];
	(tm) =	ssettm $0x1  }
0x95: {  	s7 =	sld [smem:$0x3FFB];
	_ =	sdelay $0x3  }
0x96: {  	_ =	strace s7  }
0x97: {  	s7 =	sld [smem:$0x3FFC];
	_ =	sdelay $0x3  }
0x98: {  	_ =	strace s7  }
0x99: {  	s7 =	sld [smem:$0x3FFD];
	_ =	sdelay $0x3  }
0x9a: {  	_ =	strace s7  }
0x9b: {  	_ =	strace $0x8FFFFFFF  }
0x9c: {  	s19 =	sld [smem:$0x3FDB];
	_ =	sdelay $0x1  }
0x9d: {  	s8 =	simm.s32 $_scs_section_size  }
0x9e: {  	s9 =	simm.s32 $_size__tile_overlayer_lowered;
	s10 =	simm.s32 $_tile_overlayer_lowered  }
0x9f: {  	s22 =	simm.s32 $0x1BFF;
	s21 =	sshll.u32 s10, $0x1;
	s7 =	sadd.s32 s8, s19  }
0xa0: {  	s11 =	simm.s32 $0x0;
	s20 =	sshll.u32 s9, $0x1;
	s9 =	sadd.s32 s21, s7  }
0xa1: {  	[timem:s11], [sflag:s22] =	dma.local [hbm:s9], s20  }
0xa2: {  	_ =	swait.ge [sflag:s22], s20  }
0xa3: {  	s8 =	ssub.s32 $0x0, s20;
	[sflag:s22] =	ssyncset.done $0x0  }
0xa4: {  	[sflag:s22] =	ssyncadd.s32 s8;
	_ =	sdelay $0x1  }
0xa5: {  	s23 =	simm.s32 $0x1B8B  }
0xa6: {  	_ =	swait.ge [sflag:s23], $0x1  }
0xa7: {  	[sflag:s23] =	ssyncset.done $0x0  }
0xa8: {  	s25 =	simm.s32 $0x1B8E;
	s24 =	sld [smem:$0x3FFE];
	[sflag:s23] =	ssyncadd.s32 $0xFFFFFFFF  }
0xa9: {  	s26 =	simm.s32 $execute0_lowered;
	[smem:$0x3FD2] =	sst s25  }
0xaa: {  	s9 =	sshll.u32 s26, $0x1;
	_ =	strace $0x80000046;
	[dreg:$0x1] =	wrdreg $0xFFFFFFFF  }
0xab: {  	s28 =	simm.s32 $_size_execute0_lowered;
	s7 =	sadd.s32 s7, s9;
	[dreg:$0x0] =	wrdreg $0x0  }
0xac: {  	s9 =	sshll.u32 s28, $0x1;
	[dreg:$0x2] =	wrdreg s7  }
0xad: {  	[dreg:$0x3] =	wrdreg s9  }
0xae: {  	[dreg:$0x4] =	wrdreg $0xC0  }
0xaf: {  	_ =	task [dreg:s11], $0x5FFFF  }
0xb0: {  	[dreg:$0x1] =	wrdreg $0xFFFFFFFF  }
0xb1: {  	[dreg:$0x0] =	wrdreg $0x60  }
0xb2: {  	[dreg:$0x2] =	wrdreg s2  }
0xb3: {  	[dreg:$0x3] =	wrdreg s18  }
0xb4: {  	[dreg:$0x4] =	wrdreg s4  }
0xb5: {  	[dreg:$0x5] =	wrdreg s5  }
0xb6: {  	[dreg:$0x6] =	wrdreg s24  }
0xb7: {  	[dreg:$0x7] =	wrdreg s6  }
0xb8: {  	[dreg:$0x8] =	wrdreg $0x9  }
0xb9: {  	_ =	task.clear_ibuf [dreg:s11], $0x9FFFF;
	_ =	strace $0x90000046  }
0xba: {  	s29 =	simm.s32 $0x9;
	_ =	strace $0x80000048  }
0xbb: {  	_ =	swait.ge [sflag:s29], $0x1  }
0xbc: {  	[sflag:s29] =	ssyncadd.s32 $0xFFFFFFFF  }
0xbd: {  	_ =	strace $0x90000048  }
0xbe: {  	_ =	sfence  }
0xbf: {  	s30 =	sld [smem:$0x0];
	_ =	sdelay $0x2  }
0xc0: {  	s31 =	sshll.u32 s1, $0xD;
	s1 =	sshrl.u32 s1, $0x2  }
0xc1: {  	s3 =	sand.u32 $0x4000, s31;
	s1 =	sadd.s32 s1, s30  }
0xc2: {  	s0 =	sor.u32 s3, s0;
	s1 =	sshll.u32 s1, $0x11  }
0xc3: {  	s0 =	sor.u32 s1, s0  }
0xc4: {  	s0 =	sadd.s32 $0x8F2B, s0  }
0xc5: {  	[sflag:s0] =	ssyncadd.remote.s32 $0x1  }
0xc6: {  	_ =	sfence.sel $0xFFFF  }
0xc7: {  	[dreg:$0x0] =	wrdreg $0xFFFFFFFF;
	(pc) =	sbr.abs _section_cstart, $3  }
0xc8: {  	[dreg:$0x1] =	wrdreg $0xFFFFFFFF  }
0xc9: {  	_ =	task.clear_ibuf [dreg:s11], $0x2FFFF;
	_ =	strace $0x9FFFFFFF  }
0xca: {  	(tm) =	ssettm $0x7FFFFFFF  }
0xcb: {  	_ =	shalt  }
tec
execute0_lowered:
.L_overlay_start_1:
0x0: {  	(tag) =	ssettag $0x1  }
0x1: {  	v4 =	vimm.s32 $0x74737271  }
0x2: {  	vm0 =	vcmask $0xF00;
	v5 =	vimm.s32 $0x78777675;
	v4 =	vunpack.c.0.s8.s32 v4  }
0x3: {  	v6 =	vimm.s32 $0x7C7B7A79;
	vm1 =	vcmask $0x1F10;
	v5 =	vunpack.c.0.s8.s32 v5  }
0x4: {  	v8 =	vimm.s32 $0x7F7E7D;
	v6 =	vunpack.c.0.s8.s32 v6;
	v4 =	vnsel vm0, $0x400, v4  }
0x5: {  	vm2 =	vcmask $0x2F20;
	v4 =	vsel vm1, v5, v4;
	v5 =	vunpack.c.0.s8.s32 v8  }
0x6: {  	vm3 =	vcmask $0x3B30;
	v4 =	vsel vm2, v6, v4  }
0x7: {  	v4 =	vsel vm3, v5, v4  }
0x8: {  	[tilespmem:$0x1FCB0] =	vst v4;
	v4 =	vimm.s32 $0xF4F3F2F1  }
0x9: {  	v5 =	vimm.s32 $0xF8F7F6F5;
	v4 =	vunpack.c.0.s8.s32 v4  }
0xa: {  	v6 =	vimm.s32 $0xFCFBFAF9;
	v5 =	vunpack.c.0.s8.s32 v5  }
0xb: {  	v6 =	vunpack.c.0.s8.s32 v6;
	v4 =	vand.u32 $0xFF, v4  }
0xc: {  	v8 =	vimm.s32 $0xFFFEFD;
	v5 =	vand.u32 $0xFF, v5;
	v4 =	vnsel vm0, $0x480, v4  }
0xd: {  	v4 =	vsel vm1, v5, v4;
	v5 =	vand.u32 $0xFF, v6;
	v6 =	vunpack.c.0.s8.s32 v8  }
0xe: {  	vm14 =	vcmask $0x300;
	v4 =	vsel vm2, v5, v4;
	v5 =	vimm.s32 $0x500  }
0xf: {  	vm13 =	vcmask $0x704;
	v6 =	vand.u32 $0xFF, v6;
	v5 =	vsel vm14, $0x171, v5  }
0x10: {  	vm12 =	vcmask $0xB08;
	v37 =	vsel vm3, v6, v4;
	v4 =	vsel vm13, $0x172, v5  }
0x11: {  	vm11 =	vcmask $0xF0C;
	v4 =	vsel vm12, $0x173, v4  }
0x12: {  	vm10 =	vcmask $0x1310;
	vm9 =	vcmask $0x1714;
	v4 =	vsel vm11, $0x174, v4  }
0x13: {  	vm8 =	vcmask $0x1B18;
	vm7 =	vcmask $0x1F1C;
	v4 =	vsel vm10, $0x175, v4  }
0x14: {  	vm6 =	vcmask $0x2320;
	vm5 =	vcmask $0x2724;
	v4 =	vsel vm9, $0x176, v4  }
0x15: {  	vm4 =	vcmask $0x2B28;
	v5 =	vimm.s32 $0x580;
	v4 =	vsel vm8, $0x177, v4  }
0x16: {  	vm15 =	vcmask $0x3B38;
	v5 =	vsel vm14, $0x1F1, v5;
	v4 =	vsel vm7, $0x178, v4  }
0x17: {  	vm0 =	vcmask $0x3330;
	v5 =	vsel vm13, $0x1F2, v5;
	v4 =	vsel vm6, $0x179, v4  }
0x18: {  	vm1 =	vcmask $0x3734;
	v5 =	vsel vm12, $0x1F3, v5;
	v4 =	vsel vm5, $0x17A, v4  }
0x19: {  	vm3 =	vcmask $0x2F2C;
	v5 =	vsel vm11, $0x1F4, v5;
	v4 =	vsel vm4, $0x17B, v4  }
0x1a: {  	v6 =	vimm.s32 $0x600;
	v5 =	vsel vm10, $0x1F5, v5;
	v4 =	vsel vm3, $0x17C, v4  }
0x1b: {  	v6 =	vsel vm14, $0x271, v6;
	v5 =	vsel vm9, $0x1F6, v5;
	v4 =	vsel vm0, $0x17D, v4  }
0x1c: {  	v6 =	vsel vm13, $0x272, v6;
	v5 =	vsel vm8, $0x1F7, v5;
	v4 =	vsel vm1, $0x17E, v4  }
0x1d: {  	v39 =	vsel vm15, $0x17F, v4;
	v4 =	vsel vm7, $0x1F8, v5;
	v5 =	vsel vm12, $0x273, v6  }
0x1e: {  	v4 =	vsel vm6, $0x1F9, v4;
	v5 =	vsel vm11, $0x274, v5  }
0x1f: {  	v4 =	vsel vm5, $0x1FA, v4;
	v5 =	vsel vm10, $0x275, v5  }
0x20: {  	v4 =	vsel vm4, $0x1FB, v4;
	v5 =	vsel vm9, $0x276, v5  }
0x21: {  	v4 =	vsel vm3, $0x1FC, v4;
	v5 =	vsel vm8, $0x277, v5  }
0x22: {  	v4 =	vsel vm0, $0x1FD, v4;
	v5 =	vsel vm7, $0x278, v5  }
0x23: {  	v0 =	vlaneseq.u32;
	v4 =	vsel vm1, $0x1FE, v4;
	v5 =	vsel vm6, $0x279, v5  }
0x24: {  	v21 =	vsel vm15, $0x1FF, v4;
	v4 =	vsel vm5, $0x27A, v5;
	v5 =	vor.u32 $0x200, v0  }
0x25: {  	[tilespmem:$0x1FCC0] =	vst v5;
	v5 =	vor.u32 $0x220, v0  }
0x26: {  	v4 =	vsel vm4, $0x27B, v4;
	[tilespmem:$0x1FCD0] =	vst v5;
	v5 =	vor.u32 $0x240, v0  }
0x27: {  	v4 =	vsel vm3, $0x27C, v4;
	[tilespmem:$0x1FCE0] =	vst v5;
	v5 =	vadd.s32 $0x261, v0  }
0x28: {  	v4 =	vsel vm0, $0x27D, v4;
	[tilespmem:$0x1FCF0] =	vst v5;
	v5 =	vor.u32 $0x210, v0  }
0x29: {  	v4 =	vsel vm1, $0x27E, v4;
	[tilespmem:$0x1FD00] =	vst v5;
	v5 =	vor.u32 $0x230, v0  }
0x2a: {  	v22 =	vsel vm15, $0x27F, v4;
	v4 =	vor.u32 $0x280, v0;
	[tilespmem:$0x1FD10] =	vst v5;
	v5 =	vimm.s32 $0x680  }
0x2b: {  	[tilespmem:$0x1FD20] =	vst v4;
	v4 =	vsel vm14, $0x2F1, v5;
	v5 =	vor.u32 $0x2A0, v0  }
0x2c: {  	[tilespmem:$0x1FD30] =	vst v5;
	v5 =	vor.u32 $0x2C0, v0  }
0x2d: {  	s0 =	rddreg [dreg:$0x0];
	[tilespmem:$0x1FD40] =	vst v5;
	v5 =	vadd.s32 $0x2E1, v0  }
0x2e: {  	s1 =	rddreg [dreg:$0x1];
	[tilespmem:$0x1FD50] =	vst v5;
	v5 =	vor.u32 $0x290, v0  }
0x2f: {  	s2 =	rddreg [dreg:$0x2];
	[tilespmem:$0x1FD60] =	vst v5;
	v5 =	vor.u32 $0x2B0, v0  }
0x30: {  	s5 =	rddreg [dreg:$0x3];
	s3 =	simm.s32 $0x0;
	[tilespmem:$0x1FD70] =	vst v5;
	v5 =	vor.u32 $0x2D0, v0  }
0x31: {  	v55 =	vor.u32 $0x20, v0;
	[smem:$0x7FF] =	sst s3;
	[tilespmem:$0x1FD80] =	vst v5  }
0x32: {  	s6 =	rddreg [dreg:$0x4];
	v50 =	vor.u32 $0x40, v0;
	_ =	strace $0x80000047;
	[tilespmem:$0x1FDE0] =	vst v55  }
0x33: {  	v51 =	vor.u32 $0xC0, v0;
	[tilespmem:$0x1FDF0] =	vst v50  }
0x34: {  	v32 =	vadd.s32 $0xE1, v0;
	[tilespmem:$0x1FE00] =	vst v51  }
0x35: {  	v53 =	vadd.s32 $0x61, v0;
	[tilespmem:$0x1FE10] =	vst v32  }
0x36: {  	v60 =	vor.u32 $0xB0, v0;
	[tilespmem:$0x1FE20] =	vst v53  }
0x37: {  	v31 =	vor.u32 $0x50, v0;
	[tilespmem:$0x1FE30] =	vst v60  }
0x38: {  	v33 =	vor.u32 $0x90, v0;
	[tilespmem:$0x1FE40] =	vst v31  }
0x39: {  	v35 =	vor.u32 $0x100, v0;
	[tilespmem:$0x1FE50] =	vst v33  }
0x3a: {  	v34 =	vor.u32 $0xD0, v0;
	[tilespmem:$0x1FE60] =	vst v35  }
0x3b: {  	v18 =	vor.u32 $0x140, v0;
	[tilespmem:$0x1FE70] =	vst v34  }
0x3c: {  	v52 =	vadd.s32 $0x161, v0;
	[tilespmem:$0x1FE80] =	vst v18  }
0x3d: {  	v44 =	vor.u32 $0x110, v0;
	[tilespmem:$0x1FE90] =	vst v52  }
0x3e: {  	v47 =	vor.u32 $0x130, v0;
	[tilespmem:$0x1FEA0] =	vst v44  }
0x3f: {  	v48 =	vor.u32 $0x150, v0;
	[tilespmem:$0x1FEB0] =	vst v47  }
0x40: {  	[tilespmem:$0x1FEC0] =	vst v48  }
0x41: {  	v36 =	vor.u32 $0x120, v0;
	[tilespmem:$0x1FED0] =	vst v39  }
0x42: {  	v54 =	vor.u32 $0x30, v0;
	v46 =	vor.u32 $0x80, v0;
	v49 =	vor.u32 $0xA0, v0;
	[tilespmem:$0x1FEE0] =	vst v36  }
0x43: {  	v38 =	vor.u32 $0x180, v0;
	v20 =	vor.u32 $0x1C0, v0;
	v4 =	vsel vm13, $0x2F2, v4;
	[tilespmem:$0x1FEF0] =	vst v37  }
0x44: {  	v40 =	vor.u32 $0x1A0, v0;
	v41 =	vadd.s32 $0x1E1, v0;
	v4 =	vsel vm12, $0x2F3, v4;
	[tilespmem:$0x1FF00] =	vst v20  }
0x45: {  	v43 =	vor.u32 $0x190, v0;
	v42 =	vor.u32 $0x1B0, v0;
	v4 =	vsel vm11, $0x2F4, v4;
	[tilespmem:$0x1FF10] =	vst v38  }
0x46: {  	v45 =	vor.u32 $0x1D0, v0;
	v30 =	vor.u32 $0x250, v0;
	v4 =	vsel vm10, $0x2F5, v4;
	[tilespmem:$0x1FF20] =	vst v43  }
0x47: {  	v6 =	vimm.s32 $0x780;
	v4 =	vsel vm9, $0x2F6, v4;
	v5 =	vimm.s32 $0x700;
	[tilespmem:$0x1FF30] =	vst v42  }
0x48: {  	v6 =	vsel vm14, $0x3F1, v6;
	v4 =	vsel vm8, $0x2F7, v4;
	v5 =	vsel vm14, $0x371, v5;
	[tilespmem:$0x1FF40] =	vst v45  }
0x49: {  	v6 =	vsel vm13, $0x3F2, v6;
	v4 =	vsel vm7, $0x2F8, v4;
	[tilespmem:$0x1FF50] =	vst v21;
	v5 =	vsel vm13, $0x372, v5  }
0x4a: {  	v6 =	vsel vm12, $0x3F3, v6;
	[tilespmem:$0x1FF60] =	vst v30;
	v4 =	vsel vm6, $0x2F9, v4;
	v5 =	vsel vm12, $0x373, v5  }
0x4b: {  	v6 =	vsel vm11, $0x3F4, v6;
	[tilespmem:$0x1FF70] =	vst v22;
	v4 =	vsel vm5, $0x2FA, v4;
	v5 =	vsel vm11, $0x374, v5  }
0x4c: {  	v6 =	vsel vm10, $0x3F5, v6;
	[tilespmem:$0x1FFB0] =	vst v54;
	v4 =	vsel vm4, $0x2FB, v4;
	v5 =	vsel vm10, $0x375, v5  }
0x4d: {  	s4 =	srdreg.scid;
	s7 =	stileid.u32;
	s11 =	simm.s32 $0x5;
	v6 =	vsel vm9, $0x3F6, v6;
	[tilespmem:$0x1FFC0] =	vst v46;
	v4 =	vsel vm3, $0x2FC, v4;
	v5 =	vsel vm9, $0x376, v5  }
0x4e: {  	s15 =	simm.s32 $0x1600;
	s16 =	simm.s32 $0x40;
	s18 =	simm.s32 $0x2280;
	v6 =	vsel vm8, $0x3F7, v6;
	[tilespmem:$0x1FFD0] =	vst v49;
	v4 =	vsel vm0, $0x2FD, v4;
	v5 =	vsel vm8, $0x377, v5  }
0x4f: {  	s19 =	simm.s32 $0x4280;
	s20 =	simm.s32 $0x1;
	s21 =	simm.s32 $0x6280;
	v6 =	vsel vm7, $0x3F8, v6;
	[tilespmem:$0x1FFE0] =	vst v40;
	v4 =	vsel vm1, $0x2FE, v4;
	v5 =	vsel vm7, $0x378, v5  }
0x50: {  	s22 =	simm.s32 $0xA00;
	s23 =	simm.s32 $0xC00;
	s24 =	simm.s32 $0x2;
	v6 =	vsel vm6, $0x3F9, v6;
	[tilespmem:$0x1FFF0] =	vst v41;
	v26 =	vsel vm15, $0x2FF, v4;
	v5 =	vsel vm6, $0x379, v5  }
0x51: {  	s25 =	simm.s32 $0x4;
	s28 =	simm.s32 $0x3;
	s4 =	sand.u32 $0x1, s4;
	[tilespmem:$0x1FF80] =	vst v26;
	v4 =	vsel vm5, $0x37A, v5;
	v5 =	vsel vm5, $0x3FA, v6;
	v6 =	vor.u32 $0x300, v0  }
0x52: {  	s29 =	simm.s32 $0x0;
	v1 =	vand.u32 $0x7, v0;
	s7 =	sshll.u32 s7, $0xA;
	s8 =	sshll.u32 s4, $0x9;
	[tilespmem:$0x1FD90] =	vst v6;
	v4 =	vsel vm4, $0x37B, v4;
	v6 =	vor.u32 $0x320, v0  }
0x53: {  	s26 =	ssub.s32 $0x2, s4;
	s4 =	sadd.s32 $0x187400, s6;
	s7 =	sor.u32 s8, s7;
	v5 =	vsel vm4, $0x3FB, v5;
	[tilespmem:$0x1FDA0] =	vst v6;
	v4 =	vsel vm3, $0x37C, v4;
	v6 =	vor.u32 $0x340, v0  }
0x54: {  	s10 =	sshrl.u32 s26, $0x1;
	s9 =	sshll.u32 s7, $0x5;
	s7 =	sshrl.u32 s7, $0x3;
	v5 =	vsel vm3, $0x3FC, v5;
	[tilespmem:$0x1FDB0] =	vst v6;
	v4 =	vsel vm0, $0x37D, v4;
	v6 =	vadd.s32 $0x361, v0  }
0x55: {  	s10 =	ssub.s32 s26, s10;
	s26 =	simm.s32 $0xA280;
	s0 =	sadd.s32 s0, s7;
	v5 =	vsel vm0, $0x3FD, v5;
	[tilespmem:$0x1FDC0] =	vst v6;
	v4 =	vsel vm1, $0x37E, v4;
	v6 =	vor.u32 $0x310, v0  }
0x56: {  	v3 =	vmul.u32 $0x80, v1;
	s6 =	sadd.s32 s9, s6;
	s30 =	sadd.s32 s1, s7;
	[dreg:$0x7] =	wrdreg s0;
	v5 =	vsel vm1, $0x3FE, v5;
	[tilespmem:$0x1FDD0] =	vst v6;
	v17 =	vsel vm15, $0x37F, v4  }
0x57: {  	v7 =	vor.u32 $0x10, v0;
	s31 =	sadd.s32 s2, s7;
	s8 =	sadd.s32 s5, s7;
	[dreg:$0x8] =	wrdreg s30;
	v19 =	vsel vm15, $0x3FF, v5;
	[tilespmem:$0x1FF90] =	vst v17  }
0x58: {  	v1 =	vmul.u32 $0x100, v0;
	v2 =	vor.u32 $0x60, v3;
	v3 =	vor.u32 $0x401, v3;
	s10 =	smax.u32 s10, $0x1;
	s9 =	sadd.s32 $0xA00, s6;
	[dreg:$0x9] =	wrdreg s31;
	[tilespmem:$0x1FFA0] =	vst v19  }
.LBB2_1:
0x59: {  	s0 =	rddreg [dreg:$0x7]  }
0x5a: {  	[tilespmem:s3], [sflag:$0x5] =	stream.linear.gather [hbm4b:s0+s3], $0x200, $0x38;
	[tilespmem:$0xE280] =	vst v63  }
0x5b: {  	_ =	swait.ge [sflag:s11], $0x200  }
0x5c: {  	[sflag:s11] =	ssyncset.done $0x0  }
0x5d: {  	s1 =	simm.s32 $0x200;
	s13 =	rddreg [dreg:$0x8];
	[sflag:s11] =	ssyncadd.s32 $0xFFFFFE00  }
0x5e: {  	[tilespmem:s1], [sflag:$0x5] =	stream.linear.gather [hbm4b:s13+s3], $0x200, $0x38;
	[tilespmem:$0xE280] =	vst v63  }
0x5f: {  	_ =	swait.ge [sflag:s11], $0x200  }
0x60: {  	[sflag:s11] =	ssyncset.done $0x0  }
0x61: {  	s17 =	simm.s32 $0xE00;
	s14 =	rddreg [dreg:$0x9];
	[sflag:s11] =	ssyncadd.s32 $0xFFFFFE00  }
0x62: {  	[tilespmem:s17], [sflag:$0x5] =	stream.linear.gather [hbm4b:s14+s3], $0x200, $0x38;
	[tilespmem:$0xE280] =	vst v63  }
0x63: {  	_ =	swait.ge [sflag:s11], $0x200  }
0x64: {  	[sflag:s11] =	ssyncset.done $0x0  }
0x65: {  	s30 =	simm.s32 $0x1000;
	[sflag:s11] =	ssyncadd.s32 $0xFFFFFE00  }
0x66: {  	[tilespmem:s30], [sflag:$0x5] =	stream.linear.gather [hbm4b:s8+s3], $0x200, $0x38;
	[tilespmem:$0xE280] =	vst v63  }
0x67: {  	_ =	swait.ge [sflag:s11], $0x200  }
0x68: {  	[sflag:s11] =	ssyncset.done $0x0  }
0x69: {  	[sflag:s11] =	ssyncadd.s32 $0xFFFFFE00  }
0x6a: {  	s31 =	rddreg [dreg:$0x5]  }
0x6b: {  	[tilespmem:s15], [sflag:$0x5] =	stream.linear.gather [hbm4b:s31+s3], $0xC80, $0x38;
	[tilespmem:$0xE280] =	vst v63  }
0x6c: {  	_ =	swait.ge [sflag:s11], $0xC80  }
0x6d: {  	[sflag:s11] =	ssyncset.done $0x0  }
0x6e: {  	s1 =	simm.s32 $0x0;
	[sflag:s11] =	ssyncadd.s32 $0xFFFFF380  }
0x6f: {  	v5 =	vld [tilespmem:s1+$0xE00]  }
0x70: {  	v6 =	vld [tilespmem:s1+$0x1000]  }
0x71: {  	v4 =	vld [tilespmem:s1+$0x0]  }
0x72: {  	v13 =	vld [tilespmem:s1+$0x200];
	_ =	sdelay $0x2  }
0x73: {  	v11 =	vadd.f32 $-3.000000000e+00, v5;
	v5 =	vtrunc.f32 v5;
	v8 =	vtrunc.f32 v6  }
0x74: {  	s0 =	simm.s32 $0x10;
	v9 =	vcvt.f32.s32 v5;
	v10 =	vcvt.f32.s32 v8;
	v8 =	vadd.f32 $-1.150000000e+01, v6  }
0x75: {  	s2 =	simm.s32 $0x80;
	v5 =	vld [tilespmem:s0+$0xE00];
	v6 =	vshll.u32 v13, $0xC;
	v12 =	vmul.f32 $5.773502590e-01, v11;
	v11 =	vshll.u32 v4, $0x5  }
.LBB2_2:
0x76: {  	p0 =	sne.s32 s2, $0x7C0;
	v13 =	vld [tilespmem:s0+$0x1000];
	v9 =	vadd.s32 $0x1, v9;
	v10 =	vadd.s32 $0x1, v10;
	v8 =	vmul.f32 $1.506131140e-01, v8  }
0x77: {  	v11 =	vand.u32 $0x60, v11;
	v14 =	vld [tilespmem:s0+$0x0];
	vm0 =	vlt.s32 v9, $0x7;
	[tilespmem:s1+$0x1200] =	vst v12;
	vm1 =	vlt.s32 v10, $0x18  }
0x78: {  	v6 =	vor.u32 v11, v6;
	v15 =	vld [tilespmem:s0+$0x200];
	v9 =	vnsel vm0, $0x7, v9;
	v10 =	vnsel vm1, $0x18, v10;
	[tilespmem:s1+$0x1400] =	vst v8  }
.Ltmp0:
0x79: {  	v16 =	vshra.s32 v4, $0x2;
	[tilespmem:s1+$0x400] =	vst v9;
	v4 =	vshll.u32 v9, $0x5;
	v8 =	vshll.u32 v10, $0x16;
	(pc) =	sbr.rel @p0 .LBB2_2-.Ltmp0, $4  }
0x7a: {  	v11 =	vadd.f32 $-3.000000000e+00, v5;
	[tilespmem:s1+$0x600] =	vst v10;
	v12 =	vadd.s32 $0x820, v4;
	v8 =	vadd.s32 $0x12400000, v8  }
0x7b: {  	v5 =	vtrunc.f32 v5;
	v10 =	vtrunc.f32 v13;
	[tilespmem:s1+$0xA00] =	vst v6;
	v6 =	vor.u32 v12, v8  }
0x7c: {  	s5 =	sshra.s32 s2, $0x2;
	v9 =	vcvt.f32.s32 v5;
	v8 =	vadd.f32 $-1.150000000e+01, v13;
	v10 =	vcvt.f32.s32 v10;
	[tilespmem:s1+$0xC00] =	vst v6;
	v4 =	vmovc v14  }
0x7d: {  	s2 =	sadd.s32 $0x40, s2;
	v12 =	vmul.f32 $5.773502590e-01, v11;
	v5 =	vld [tilespmem:s5+$0xE00];
	v11 =	vshll.u32 v4, $0x5;
	v6 =	vshll.u32 v15, $0xC;
	[tilespmem:s1+$0x800] =	vst v16;
	s1 =	smov.u32 s0;
	s0 =	smov.u32 s5  }
0x7e: {  	v13 =	vld [tilespmem:s0+$0x1000];
	v9 =	vadd.s32 $0x1, v9;
	v10 =	vadd.s32 $0x1, v10;
	v8 =	vmul.f32 $1.506131140e-01, v8  }
0x7f: {  	v11 =	vand.u32 $0x60, v11;
	vm0 =	vlt.s32 v9, $0x7;
	vm1 =	vlt.s32 v10, $0x18  }
0x80: {  	v14 =	vld [tilespmem:s0+$0x0];
	v4 =	vshra.s32 v4, $0x2;
	[tilespmem:s1+$0x1200] =	vst v12;
	v9 =	vnsel vm0, $0x7, v9;
	v10 =	vnsel vm1, $0x18, v10  }
0x81: {  	v6 =	vor.u32 v11, v6;
	v12 =	vld [tilespmem:s0+$0x200];
	[tilespmem:s1+$0x1400] =	vst v8;
	v8 =	vshll.u32 v9, $0x5;
	v58 =	vshll.u32 v10, $0x16  }
0x82: {  	[tilespmem:s1+$0xA00] =	vst v6;
	v59 =	vadd.f32 $-3.000000000e+00, v5;
	v8 =	vadd.s32 $0x820, v8;
	v11 =	vadd.s32 $0x12400000, v58  }
0x83: {  	[tilespmem:s1+$0x800] =	vst v4;
	v5 =	vtrunc.f32 v5;
	v60 =	vtrunc.f32 v13;
	v8 =	vor.u32 v8, v11  }
0x84: {  	[tilespmem:s1+$0x400] =	vst v9;
	v5 =	vcvt.f32.s32 v5;
	v61 =	vadd.f32 $-1.150000000e+01, v13;
	v6 =	vcvt.f32.s32 v60  }
0x85: {  	[tilespmem:s1+$0xC00] =	vst v8;
	v8 =	vmul.f32 $5.773502590e-01, v59  }
0x86: {  	[tilespmem:s1+$0x600] =	vst v10;
	v4 =	vadd.s32 $0x1, v5;
	v5 =	vadd.s32 $0x1, v6;
	v6 =	vmul.f32 $1.506131140e-01, v61  }
0x87: {  	v62 =	vshll.u32 v14, $0x5;
	vm14 =	vlt.s32 v4, $0x7;
	[tilespmem:s0+$0x1200] =	vst v8;
	vm15 =	vlt.s32 v5, $0x18  }
0x88: {  	v8 =	vshll.u32 v12, $0xC;
	v4 =	vnsel vm14, $0x7, v4;
	v5 =	vnsel vm15, $0x18, v5;
	[tilespmem:s0+$0x1400] =	vst v6  }
0x89: {  	v6 =	vand.u32 $0x60, v62;
	[tilespmem:s0+$0x400] =	vst v4;
	v4 =	vshll.u32 v4, $0x5;
	v63 =	vshll.u32 v5, $0x16  }
0x8a: {  	v6 =	vor.u32 v6, v8;
	[tilespmem:s0+$0x600] =	vst v5;
	v4 =	vadd.s32 $0x820, v4;
	v5 =	vadd.s32 $0x12400000, v63  }
0x8b: {  	s17 =	simm.s32 $0x800;
	s30 =	simm.s32 $0x1400;
	[tilespmem:s0+$0xA00] =	vst v6;
	v4 =	vor.u32 v4, v5  }
0x8c: {  	s31 =	simm.s32 $0x1200;
	s2 =	simm.s32 $0x1240;
	s7 =	simm.s32 $0x1440;
	v5 =	vshra.s32 v14, $0x2;
	[tilespmem:s0+$0xC00] =	vst v4  }
0x8d: {  	s12 =	simm.s32 $0x0;
	s13 =	simm.s32 $0x0;
	[tilespmem:s0+$0x800] =	vst v5;
	s0 =	simm.s32 $0x0  }
0x8e: {  	[tilespmem:s18], [sflag:$0x1] =	stream.indirect.gather [hbm4b:s4+s16], $0x80, s17, s16, $0xb8;
	[tilespmem:$0xE280] =	vst v63  }
.LBB2_4:
0x8f: {  	s14 =	sshllo.u32 s13, $0x1  }
0x90: {  	s1 =	sshll.u32 s14, $0x6  }
0x91: {  	s1 =	sand.u32 $0x3FFFFFC0, s1  }
0x92: {  	s1 =	sadd.s32 $0x800, s1  }
0x93: {  	[tilespmem:s19], [sflag:$0x2] =	stream.indirect.gather [hbm4b:s4+s16], $0x80, s1, s16, $0xb8;
	[tilespmem:$0xE280] =	vst v63  }
0x94: {  	_ =	swait.ge [sflag:s20], $0x2000  }
0x95: {  	p0 =	seq.s32 s13, $0x0;
	[sflag:s20] =	ssyncset.done $0x0  }
0x96: {  	v4 =	vmov s0;
	s1 =	simm.s32 @!p0 $0x3;
	[sflag:s20] =	ssyncadd.s32 $0xFFFFE000  }
0x97: {  	v4 =	vshll.u32 v4, $0x8;
	_ =	swait.ge @!p0 [sflag:s1], $0x4000  }
0x98: {  	v4 =	vor.u32 v1, v4;
	[sflag:s1] =	ssyncset.done @!p0 $0x0  }
0x99: {  	v8 =	vand.u32 $0x3800, v4;
	[sflag:s1] =	ssyncadd.s32 @!p0 $0xFFFFC000  }
0x9a: {  	s17 =	simm.s32 $0x10;
	v6 =	vor.u32 v2, v8;
	v5 =	vld [tilespmem:s31+$0x0]  }
0x9b: {  	v4 =	vmov s17  }
0x9c: {  	v4 =	vshll.u32 v4, $0x8  }
0x9d: {  	v4 =	vor.u32 v1, v4  }
0x9e: {  	s5 =	sadd.s32 $0x10, s31;
	v4 =	vand.u32 $0x3800, v4  }
0x9f: {  	v9 =	vor.u32 v2, v4;
	[tilespmem:v6+s21+$0x0] =	vst.idx.msk $0xffff, v5;
	v6 =	vld [tilespmem:s5+$0x0]  }
0xa0: {  	s6 =	simm.s32 $0x20;
	v8 =	vor.u32 v3, v8;
	s1 =	smov.u32 s30;
	v5 =	vld [tilespmem:s30+$0x0]  }
.LBB2_5:
0xa1: {  	v10 =	vmov s6;
	p1 =	sne.s32 s6, $0x30  }
.Ltmp1:
0xa2: {  	s6 =	sadd.s32 $0x10, s6;
	v10 =	vshll.u32 v10, $0x8;
	(pc) =	sbr.rel @p1 .LBB2_5-.Ltmp1, $4  }
0xa3: {  	v10 =	vor.u32 v1, v10  }
0xa4: {  	s5 =	sadd.s32 $0x10, s5;
	v10 =	vand.u32 $0x3800, v10;
	[tilespmem:v9+s21+$0x0] =	vst.idx.msk $0xffff, v6  }
0xa5: {  	s1 =	sadd.s32 $0x10, s1;
	v6 =	vld [tilespmem:s5+$0x0];
	v9 =	vor.u32 v2, v10;
	[tilespmem:v8+s21+$0x0] =	vst.idx.msk $0xffff, v5  }
0xa6: {  	v8 =	vor.u32 v3, v4;
	v4 =	vmov v10;
	v5 =	vld [tilespmem:s1+$0x0]  }
0xa7: {  	_ =	sdelay $0x3  }
0xa8: {  	s1 =	sadd.s32 $0x10, s1;
	[tilespmem:v9+s21+$0x0] =	vst.idx.msk $0xffff, v6  }
0xa9: {  	v4 =	vor.u32 v3, v4;
	v6 =	vld [tilespmem:s1+$0x0];
	_ =	sdelay $0x3  }
0xaa: {  	[tilespmem:v8+s21+$0x0] =	vst.idx.msk $0xffff, v5  }
0xab: {  	s17 =	simm.s32 $0x0;
	[tilespmem:v4+s21+$0x0] =	vst.idx.msk $0xffff, v6  }
.LBB2_7:
0xac: {  	s5 =	sadd.s32 s17, s12  }
0xad: {  	v4 =	vmov s5  }
0xae: {  	v4 =	vand.u32 $0xFFFFFFF0, v4  }
0xaf: {  	v4 =	vbroadcast v4, $0x0;
	_ =	sdelay $0x3  }
0xb0: {  	s1 =	sadd.s32 $0x1, s5  }
0xb1: {  	v5 =	vmov s1  }
0xb2: {  	v5 =	vand.u32 $0xFFFFFFF1, v5;
	v6 =	vld.idx.msk [tilespmem:v4+s22+$0x0], $0xffff  }
0xb3: {  	v8 =	vbroadcast v5, $0x0;
	_ =	sdelay $0x2  }
0xb4: {  	v5 =	vmov s17  }
0xb5: {  	v10 =	vshll.u32 v5, $0x7;
	v9 =	vand.u32 $0x7F, v6  }
0xb6: {  	v10 =	vor.u32 v10, v9  }
0xb7: {  	v11 =	vld.idx.msk [tilespmem:v8+s22+$0x0], $0xffff;
	v9 =	vadd.s32 v0, v10;
	_ =	sdelay $0x3  }
0xb8: {  	v5 =	vshll.u32 v5, $0x8  }
0xb9: {  	s6 =	sadd.s32 $0x1, s17;
	v12 =	vor.u32 v0, v5;
	v6 =	vshra.s32 v6, $0x7;
	v13 =	vand.u32 $0x7F, v11;
	v9 =	vld.idx.msk [tilespmem:v9+s18+$0x0], $0xffff  }
0xba: {  	v15 =	vmov s6;
	v4 =	vld.idx.msk [tilespmem:v4+s23+$0x0], $0xffff;
	v14 =	vadd.s32 v0, v6;
	v16 =	vadd.s32 v0, v13  }
0xbb: {  	v18 =	vshll.u32 v15, $0x7;
	v17 =	vand.u32 $0x80, v16  }
0xbc: {  	s6 =	sadd.s32 $0x2, s5;
	v16 =	vand.u32 $0x7F, v16;
	v17 =	vadd.s32 v18, v17  }
0xbd: {  	v59 =	vmov s6;
	s6 =	sadd.s32 $0x3, s5;
	v16 =	vor.u32 v16, v17  }
0xbe: {  	v15 =	vshll.u32 v15, $0x8;
	v20 =	vmov s6;
	[tilespmem:v12+s21+$0x0] =	vst.idx.msk $0xffff, v9  }
0xbf: {  	v60 =	vor.u32 v55, v5;
	v19 =	vand.u32 $0x1FFFF, v4;
	v9 =	vand.u32 $0xFFFFFFF2, v59;
	v12 =	vld.idx.msk [tilespmem:v14+s15+$0x0], $0xffff  }
0xc0: {  	v20 =	vand.u32 $0xFFFFFFF3, v20;
	v58 =	vadd.s32 v0, v19;
	v21 =	vbroadcast v9, $0x0  }
0xc1: {  	v9 =	vand.u32 $0x3000, v15;
	v15 =	vbroadcast v20, $0x0  }
0xc2: {  	v11 =	vshra.s32 v11, $0x7;
	v16 =	vld.idx.msk [tilespmem:v16+s18+$0x0], $0xffff;
	v61 =	vor.u32 v46, v9  }
0xc3: {  	v22 =	vadd.s32 v0, v11  }
0xc4: {  	v8 =	vld.idx.msk [tilespmem:v8+s23+$0x0], $0xffff;
	[tilespmem:v60+s21+$0x0] =	vst.idx.msk $0xffff, v12  }
0xc5: {  	v14 =	vshra.s32 v4, $0x11;
	v4 =	vld.idx.msk [tilespmem:v58+s15+$0x0], $0xffff  }
0xc6: {  	v62 =	vor.u32 v50, v5;
	v23 =	vld.idx.msk [tilespmem:v21+s22+$0x0], $0xffff  }
0xc7: {  	v63 =	vadd.s32 v0, v14;
	[tilespmem:v61+s21+$0x0] =	vst.idx.msk $0xffff, v16;
	v16 =	vld.idx.msk [tilespmem:v15+s22+$0x0], $0xffff  }
0xc8: {  	v24 =	vor.u32 v49, v9;
	v22 =	vld.idx.msk [tilespmem:v22+s15+$0x0], $0xffff  }
0xc9: {  	v20 =	vand.u32 $0x1FFFF, v8  }
0xca: {  	s6 =	sadd.s32 $0x2, s17;
	v25 =	vor.u32 v53, v5;
	v27 =	vadd.s32 v0, v20  }
0xcb: {  	v26 =	vadd.s32 v7, v10;
	v10 =	vshra.s32 v8, $0x11;
	[tilespmem:v62+s21+$0x0] =	vst.idx.msk $0xffff, v4;
	v4 =	vmov s6  }
0xcc: {  	v8 =	vand.u32 $0x7F, v23;
	s6 =	sadd.s32 $0x3, s17;
	v17 =	vand.u32 $0x7F, v16;
	v12 =	vld.idx.msk [tilespmem:v63+s15+$0x0], $0xffff;
	v46 =	vshll.u32 v4, $0x7  }
0xcd: {  	[tilespmem:v24+s21+$0x0] =	vst.idx.msk $0xffff, v22;
	v24 =	vmov s6;
	v30 =	vadd.s32 v0, v17;
	v8 =	vor.u32 v46, v8  }
0xce: {  	v59 =	vand.u32 $0x80, v30;
	v60 =	vshll.u32 v24, $0x7;
	v49 =	vadd.s32 v0, v8  }
0xcf: {  	v58 =	vor.u32 v51, v9;
	v27 =	vld.idx.msk [tilespmem:v27+s15+$0x0], $0xffff;
	v30 =	vand.u32 $0x7F, v30;
	v59 =	vadd.s32 v60, v59  }
0xd0: {  	v28 =	vor.u32 v7, v5;
	v46 =	vor.u32 v30, v59  }
0xd1: {  	v6 =	vadd.s32 v7, v6;
	v29 =	vadd.s32 v0, v10;
	v4 =	vshll.u32 v4, $0x8;
	s6 =	sadd.s32 $0x4, s5;
	[tilespmem:v25+s21+$0x0] =	vst.idx.msk $0xffff, v12  }
0xd2: {  	v23 =	vshra.s32 v23, $0x7;
	v12 =	vand.u32 $0x3000, v4;
	v4 =	vmov s6;
	v26 =	vld.idx.msk [tilespmem:v26+s18+$0x0], $0xffff  }
0xd3: {  	v24 =	vshll.u32 v24, $0x8;
	v4 =	vand.u32 $0xFFFFFFF4, v4;
	v22 =	vld.idx.msk [tilespmem:v49+s18+$0x0], $0xffff;
	v49 =	vor.u32 v35, v12  }
0xd4: {  	v21 =	vld.idx.msk [tilespmem:v21+s23+$0x0], $0xffff;
	v62 =	vadd.s32 v0, v23;
	[tilespmem:v58+s21+$0x0] =	vst.idx.msk $0xffff, v27;
	v58 =	vbroadcast v4, $0x0;
	v4 =	vand.u32 $0x3000, v24  }
0xd5: {  	v16 =	vshra.s32 v16, $0x7;
	v63 =	vld.idx.msk [tilespmem:v46+s18+$0x0], $0xffff;
	v24 =	vor.u32 v38, v4  }
0xd6: {  	v13 =	vadd.s32 v7, v13;
	v15 =	vld.idx.msk [tilespmem:v15+s23+$0x0], $0xffff;
	v46 =	vadd.s32 v0, v16  }
0xd7: {  	v61 =	vor.u32 v32, v9;
	v30 =	vand.u32 $0x80, v13;
	v29 =	vld.idx.msk [tilespmem:v29+s15+$0x0], $0xffff;
	[tilespmem:v28+s21+$0x0] =	vst.idx.msk $0xffff, v26  }
0xd8: {  	v13 =	vand.u32 $0x7F, v13;
	v18 =	vadd.s32 v18, v30;
	v6 =	vld.idx.msk [tilespmem:v6+s15+$0x0], $0xffff;
	[tilespmem:v49+s21+$0x0] =	vst.idx.msk $0xffff, v22  }
0xd9: {  	v13 =	vor.u32 v13, v18;
	v27 =	vld.idx.msk [tilespmem:v62+s15+$0x0], $0xffff  }
0xda: {  	v30 =	vld.idx.msk [tilespmem:v58+s22+$0x0], $0xffff;
	[tilespmem:v24+s21+$0x0] =	vst.idx.msk $0xffff, v63  }
0xdb: {  	v56 =	vor.u32 v44, v12;
	v26 =	vand.u32 $0x1FFFF, v21;
	v28 =	vor.u32 v36, v12;
	v25 =	vld.idx.msk [tilespmem:v46+s15+$0x0], $0xffff  }
0xdc: {  	s6 =	sadd.s32 $0x5, s5;
	v49 =	vor.u32 v54, v5;
	[tilespmem:v61+s21+$0x0] =	vst.idx.msk $0xffff, v29;
	v29 =	vadd.s32 v0, v26;
	v46 =	vld [tilespmem:$0x1FE80]  }
0xdd: {  	v44 =	vld [tilespmem:$0x1FCE0];
	v38 =	vor.u32 v40, v4;
	v36 =	vmov s6;
	v24 =	vand.u32 $0x1FFFF, v15  }
0xde: {  	v19 =	vadd.s32 v7, v19;
	v18 =	vand.u32 $0xFFFFFFF5, v36;
	v13 =	vld.idx.msk [tilespmem:v13+s18+$0x0], $0xffff;
	v62 =	vadd.s32 v0, v24  }
0xdf: {  	v35 =	vor.u32 v33, v9;
	s6 =	sadd.s32 $0x4, s17;
	v63 =	vbroadcast v18, $0x0;
	v18 =	vor.u32 v31, v5;
	v31 =	vld [tilespmem:$0x1FF00]  }
0xe0: {  	v11 =	vadd.s32 v7, v11;
	v21 =	vshra.s32 v21, $0x11;
	v33 =	vld.idx.msk [tilespmem:v58+s23+$0x0], $0xffff;
	[tilespmem:v28+s21+$0x0] =	vst.idx.msk $0xffff, v27;
	v27 =	vmov s6  }
0xe1: {  	[tilespmem:v49+s21+$0x0] =	vst.idx.msk $0xffff, v6;
	v28 =	vand.u32 $0x7F, v30;
	s6 =	sadd.s32 $0x6, s5;
	v6 =	vld.idx.msk [tilespmem:v29+s15+$0x0], $0xffff;
	v22 =	vor.u32 v46, v12;
	v29 =	vshll.u32 v27, $0x7  }
0xe2: {  	v49 =	vadd.s32 v0, v21;
	[tilespmem:v38+s21+$0x0] =	vst.idx.msk $0xffff, v25;
	v46 =	vmov s6;
	v28 =	vor.u32 v29, v28;
	v29 =	vld [tilespmem:$0x1FE30]  }
0xe3: {  	v61 =	vld.idx.msk [tilespmem:v62+s15+$0x0], $0xffff;
	v62 =	vor.u32 v52, v12;
	v52 =	vand.u32 $0xFFFFFFF6, v46  }
0xe4: {  	v19 =	vld.idx.msk [tilespmem:v19+s15+$0x0], $0xffff;
	[tilespmem:v35+s21+$0x0] =	vst.idx.msk $0xffff, v13;
	v36 =	vadd.s32 v0, v28;
	v25 =	vbroadcast v52, $0x0  }
0xe5: {  	v11 =	vld.idx.msk [tilespmem:v11+s15+$0x0], $0xffff  }
0xe6: {  	v15 =	vshra.s32 v15, $0x11;
	v31 =	vor.u32 v31, v4;
	v32 =	vld.idx.msk [tilespmem:v63+s22+$0x0], $0xffff;
	[tilespmem:v22+s21+$0x0] =	vst.idx.msk $0xffff, v6  }
0xe7: {  	v38 =	vadd.s32 v0, v15;
	v29 =	vor.u32 v29, v9;
	v13 =	vld.idx.msk [tilespmem:v49+s15+$0x0], $0xffff  }
0xe8: {  	v49 =	vld [tilespmem:$0x1FCC0]  }
0xe9: {  	v20 =	vadd.s32 v7, v20;
	[tilespmem:v18+s21+$0x0] =	vst.idx.msk $0xffff, v19;
	v18 =	vld.idx.msk [tilespmem:v36+s18+$0x0], $0xffff  }
0xea: {  	v14 =	vadd.s32 v7, v14;
	v8 =	vadd.s32 v7, v8;
	v35 =	vld.idx.msk [tilespmem:v25+s22+$0x0], $0xffff  }
0xeb: {  	v17 =	vadd.s32 v7, v17;
	v30 =	vshra.s32 v30, $0x7;
	v6 =	vshll.u32 v27, $0x8;
	[tilespmem:v31+s21+$0x0] =	vst.idx.msk $0xffff, v61;
	v25 =	vld.idx.msk [tilespmem:v25+s23+$0x0], $0xffff  }
0xec: {  	v27 =	vor.u32 v41, v4;
	v6 =	vand.u32 $0x3000, v6;
	v31 =	vand.u32 $0x80, v17;
	[tilespmem:v29+s21+$0x0] =	vst.idx.msk $0xffff, v11;
	v11 =	vld.idx.msk [tilespmem:v38+s15+$0x0], $0xffff  }
0xed: {  	s6 =	sadd.s32 $0x5, s17;
	v17 =	vand.u32 $0x7F, v17;
	v61 =	vand.u32 $0x7F, v32;
	v19 =	vor.u32 v49, v6;
	v49 =	vld [tilespmem:$0x1FCD0]  }
0xee: {  	v38 =	vadd.s32 v60, v31;
	v29 =	vmov s6;
	v31 =	vadd.s32 v0, v61;
	[tilespmem:v62+s21+$0x0] =	vst.idx.msk $0xffff, v13;
	v20 =	vld.idx.msk [tilespmem:v20+s15+$0x0], $0xffff  }
0xef: {  	v36 =	vadd.s32 v0, v30;
	v46 =	vand.u32 $0x80, v31;
	v22 =	vshll.u32 v29, $0x7;
	v60 =	vld.idx.msk [tilespmem:v8+s18+$0x0], $0xffff  }
0xf0: {  	v13 =	vor.u32 v17, v38;
	v8 =	vand.u32 $0x7F, v31;
	v17 =	vadd.s32 v22, v46;
	v46 =	vld [tilespmem:$0x1FD20]  }
0xf1: {  	v17 =	vor.u32 v8, v17;
	v8 =	vld [tilespmem:$0x1FCB0]  }
0xf2: {  	v38 =	vadd.s32 v7, v23;
	[tilespmem:v27+s21+$0x0] =	vst.idx.msk $0xffff, v11;
	v27 =	vld.idx.msk [tilespmem:v63+s23+$0x0], $0xffff  }
0xf3: {  	v59 =	vor.u32 v34, v9;
	v11 =	vld.idx.msk [tilespmem:v14+s15+$0x0], $0xffff  }
0xf4: {  	v16 =	vadd.s32 v7, v16;
	[tilespmem:v19+s21+$0x0] =	vst.idx.msk $0xffff, v18;
	v14 =	vor.u32 v48, v12;
	v48 =	vld [tilespmem:$0x1FD30]  }
0xf5: {  	v26 =	vadd.s32 v7, v26;
	v9 =	vor.u32 v37, v9;
	v31 =	vand.u32 $0x1FFFF, v33;
	v19 =	vld.idx.msk [tilespmem:v36+s15+$0x0], $0xffff  }
0xf6: {  	v23 =	vor.u32 v43, v4;
	v52 =	vor.u32 v49, v6;
	v13 =	vld.idx.msk [tilespmem:v13+s18+$0x0], $0xffff;
	[tilespmem:v56+s21+$0x0] =	vst.idx.msk $0xffff, v60  }
0xf7: {  	v57 =	vadd.s32 v0, v31;
	v36 =	vadd.s32 v7, v10;
	v10 =	vld.idx.msk [tilespmem:v38+s15+$0x0], $0xffff;
	v5 =	vor.u32 v8, v5  }
0xf8: {  	v38 =	vor.u32 v47, v12;
	v12 =	vor.u32 v39, v12;
	v39 =	vld [tilespmem:$0x1FDA0];
	[tilespmem:$0x1FCA0] =	vst v5;
	v5 =	vshll.u32 v29, $0x8  }
0xf9: {  	v37 =	vadd.s32 v7, v24;
	v18 =	vshra.s32 v33, $0x11;
	v17 =	vld.idx.msk [tilespmem:v17+s18+$0x0], $0xffff;
	v5 =	vand.u32 $0x3000, v5  }
0xfa: {  	s6 =	sadd.s32 $0x6, s17;
	[tilespmem:v59+s21+$0x0] =	vst.idx.msk $0xffff, v20;
	v29 =	vshra.s32 v32, $0x7;
	v32 =	vor.u32 v46, v5;
	v46 =	vor.u32 v42, v4;
	v42 =	vld [tilespmem:$0x1FCF0]  }
0xfb: {  	v33 =	vmov s6;
	v20 =	vor.u32 v44, v6;
	[tilespmem:v52+s21+$0x0] =	vst.idx.msk $0xffff, v19;
	v24 =	vor.u32 v48, v5;
	v48 =	vld [tilespmem:$0x1FD40]  }
0xfc: {  	v49 =	vand.u32 $0x7F, v35;
	v58 =	vadd.s32 v0, v29;
	v52 =	vshll.u32 v33, $0x7;
	[tilespmem:v23+s21+$0x0] =	vst.idx.msk $0xffff, v13;
	v34 =	vld.idx.msk [tilespmem:v57+s15+$0x0], $0xffff  }
0xfd: {  	v43 =	vadd.s32 v0, v18;
	v62 =	vor.u32 v52, v49;
	v16 =	vld.idx.msk [tilespmem:v16+s15+$0x0], $0xffff  }
0xfe: {  	s6 =	sadd.s32 $0x7, s5;
	[tilespmem:v38+s21+$0x0] =	vst.idx.msk $0xffff, v10;
	v38 =	vld [tilespmem:$0x1FD90];
	v44 =	vadd.s32 v0, v62  }
0xff: {  	v47 =	vmov s6;
	v26 =	vld.idx.msk [tilespmem:v26+s15+$0x0], $0xffff  }
0x100: {  	[tilespmem:v32+s21+$0x0] =	vst.idx.msk $0xffff, v17;
	v17 =	vand.u32 $0xFFFFFFF7, v47;
	v47 =	vld [tilespmem:$0x1FD00]  }
0x101: {  	v19 =	vand.u32 $0x1FFFF, v27;
	v49 =	vshll.u32 v33, $0x8;
	[tilespmem:v20+s21+$0x0] =	vst.idx.msk $0xffff, v34;
	v20 =	vld.idx.msk [tilespmem:v58+s15+$0x0], $0xffff  }
0x102: {  	v52 =	vadd.s32 v0, v19;
	v10 =	vand.u32 $0x3000, v49;
	v32 =	vbroadcast v17, $0x0;
	v33 =	vld.idx.msk [tilespmem:v43+s15+$0x0], $0xffff  }
0x103: {  	v35 =	vshra.s32 v35, $0x7;
	v59 =	vor.u32 v38, v10;
	[tilespmem:v46+s21+$0x0] =	vst.idx.msk $0xffff, v16;
	v58 =	vld.idx.msk [tilespmem:v44+s18+$0x0], $0xffff  }
0x104: {  	v43 =	vor.u32 v42, v6;
	v44 =	vadd.s32 v0, v35;
	v23 =	vld.idx.msk [tilespmem:v37+s15+$0x0], $0xffff  }
0x105: {  	v13 =	vor.u32 v45, v4;
	v46 =	vadd.s32 v7, v28;
	[tilespmem:v14+s21+$0x0] =	vst.idx.msk $0xffff, v26;
	v14 =	vld.idx.msk [tilespmem:v36+s15+$0x0], $0xffff  }
0x106: {  	v17 =	vadd.s32 v7, v21;
	v42 =	vor.u32 v39, v10;
	v39 =	vld [tilespmem:$0x1FDB0];
	[tilespmem:v24+s21+$0x0] =	vst.idx.msk $0xffff, v20  }
0x107: {  	v24 =	vld.idx.msk [tilespmem:v52+s15+$0x0], $0xffff  }
0x108: {  	s6 =	sadd.s32 $0x8, s5;
	v49 =	vor.u32 v48, v5;
	[tilespmem:v59+s21+$0x0] =	vst.idx.msk $0xffff, v58;
	v58 =	vld.idx.msk [tilespmem:v32+s22+$0x0], $0xffff  }
0x109: {  	v28 =	vadd.s32 v7, v15;
	v21 =	vshra.s32 v27, $0x11;
	[tilespmem:v43+s21+$0x0] =	vst.idx.msk $0xffff, v33;
	v43 =	vmov s6;
	v59 =	vld.idx.msk [tilespmem:v44+s15+$0x0], $0xffff  }
0x10a: {  	v37 =	vor.u32 v47, v6;
	v52 =	vadd.s32 v7, v61;
	s6 =	sadd.s32 $0x9, s5;
	v16 =	vld.idx.msk [tilespmem:v46+s18+$0x0], $0xffff;
	v15 =	vand.u32 $0xFFFFFFF8, v43  }
0x10b: {  	v33 =	vand.u32 $0x1FFFF, v25;
	[tilespmem:v13+s21+$0x0] =	vst.idx.msk $0xffff, v23;
	v45 =	vmov s6;
	v23 =	vbroadcast v15, $0x0;
	v15 =	vld.idx.msk [tilespmem:v17+s15+$0x0], $0xffff  }
0x10c: {  	v44 =	vadd.s32 v0, v33;
	v46 =	vand.u32 $0x80, v52;
	v47 =	vand.u32 $0xFFFFFFF9, v45;
	v45 =	vld [tilespmem:$0x1FDC0]  }
0x10d: {  	v48 =	vand.u32 $0x7F, v52;
	v13 =	vadd.s32 v22, v46;
	v27 =	vbroadcast v47, $0x0;
	v47 =	vld [tilespmem:$0x1FF50]  }
0x10e: {  	v20 =	vadd.s32 v7, v30;
	v30 =	vadd.s32 v0, v21;
	v17 =	vor.u32 v48, v13;
	v13 =	vld.idx.msk [tilespmem:v28+s15+$0x0], $0xffff  }
0x10f: {  	v48 =	vld [tilespmem:$0x1FF60];
	[tilespmem:v49+s21+$0x0] =	vst.idx.msk $0xffff, v24  }
0x110: {  	s6 =	sadd.s32 $0x7, s17;
	v22 =	vshra.s32 v25, $0x11;
	v49 =	vld [tilespmem:$0x1FD50];
	v36 =	vand.u32 $0x7F, v58;
	[tilespmem:v42+s21+$0x0] =	vst.idx.msk $0xffff, v59  }
0x111: {  	v25 =	vmov s6;
	v28 =	vor.u32 v39, v10;
	v63 =	vadd.s32 v0, v36;
	v26 =	vld.idx.msk [tilespmem:v44+s15+$0x0], $0xffff  }
0x112: {  	[tilespmem:v37+s21+$0x0] =	vst.idx.msk $0xffff, v16;
	v37 =	vshll.u32 v25, $0x7;
	v42 =	vand.u32 $0x80, v63;
	v16 =	vor.u32 v47, v4;
	v4 =	vld [tilespmem:$0x1FD10]  }
0x113: {  	v43 =	vadd.s32 v0, v22;
	v30 =	vld.idx.msk [tilespmem:v30+s15+$0x0], $0xffff;
	v24 =	vand.u32 $0x7F, v63;
	v46 =	vadd.s32 v37, v42  }
0x114: {  	v20 =	vld.idx.msk [tilespmem:v20+s15+$0x0], $0xffff;
	v60 =	vor.u32 v24, v46  }
0x115: {  	v44 =	vld [tilespmem:$0x1FD70];
	v52 =	vor.u32 v49, v5  }
0x116: {  	v49 =	vld [tilespmem:$0x1FD60]  }
0x117: {  	v61 =	vld.idx.msk [tilespmem:v23+s22+$0x0], $0xffff;
	[tilespmem:v28+s21+$0x0] =	vst.idx.msk $0xffff, v26;
	v4 =	vor.u32 v4, v6  }
0x118: {  	s6 =	sadd.s32 $0x8, s17;
	v47 =	vld.idx.msk [tilespmem:v43+s15+$0x0], $0xffff  }
0x119: {  	v56 =	vmov v40;
	v40 =	vmov s6;
	v59 =	vld.idx.msk [tilespmem:v60+s18+$0x0], $0xffff  }
0x11a: {  	v39 =	vshra.s32 v58, $0x7;
	v58 =	vor.u32 $0x380, v0;
	v24 =	vor.u32 v48, v6;
	[tilespmem:v52+s21+$0x0] =	vst.idx.msk $0xffff, v30;
	v30 =	vld.idx.msk [tilespmem:v27+s22+$0x0], $0xffff  }
0x11b: {  	v46 =	vshll.u32 v25, $0x8;
	v26 =	vor.u32 v45, v10;
	v52 =	vor.u32 v49, v5;
	v34 =	vld.idx.msk [tilespmem:v17+s18+$0x0], $0xffff  }
0x11c: {  	v48 =	vand.u32 $0x7F, v61;
	v49 =	vshll.u32 v40, $0x7;
	v17 =	vand.u32 $0x3000, v46;
	[tilespmem:v4+s21+$0x0] =	vst.idx.msk $0xffff, v20;
	v4 =	vld.idx.msk [tilespmem:v32+s23+$0x0], $0xffff  }
0x11d: {  	v29 =	vadd.s32 v7, v29;
	v60 =	vor.u32 v58, v17;
	v32 =	vor.u32 v49, v48;
	v48 =	vld [tilespmem:$0x1FF70]  }
0x11e: {  	v28 =	vadd.s32 v7, v62;
	v62 =	vadd.s32 v0, v39;
	v49 =	vld [tilespmem:$0x1FDD0]  }
0x11f: {  	v57 =	vmov v41;
	v41 =	vand.u32 $0x7F, v30  }
0x120: {  	s6 =	sadd.s32 $0x9, s17;
	v38 =	vor.u32 v44, v5;
	[tilespmem:v52+s21+$0x0] =	vst.idx.msk $0xffff, v34;
	v52 =	vadd.s32 v0, v41  }
0x121: {  	[tilespmem:v26+s21+$0x0] =	vst.idx.msk $0xffff, v47;
	v63 =	vadd.s32 v0, v32;
	v34 =	vmov s6;
	v45 =	vand.u32 $0x80, v52  }
0x122: {  	v29 =	vld.idx.msk [tilespmem:v29+s15+$0x0], $0xffff;
	v43 =	vshll.u32 v34, $0x7;
	v46 =	vand.u32 $0x7F, v52;
	[tilespmem:v60+s21+$0x0] =	vst.idx.msk $0xffff, v59;
	v59 =	vor.u32 $0x3A0, v0  }
0x123: {  	v47 =	vadd.s32 v43, v45;
	v20 =	vor.u32 v48, v6;
	v26 =	vor.u32 v49, v10;
	v60 =	vld.idx.msk [tilespmem:v62+s15+$0x0], $0xffff  }
0x124: {  	v42 =	vand.u32 $0x1FFFF, v4;
	v52 =	vor.u32 v59, v17;
	v49 =	vld [tilespmem:$0x1FFC0];
	v6 =	vor.u32 v46, v47  }
0x125: {  	v25 =	vshll.u32 v40, $0x8;
	v28 =	vld.idx.msk [tilespmem:v28+s18+$0x0], $0xffff;
	v44 =	vadd.s32 v0, v42  }
0x126: {  	v35 =	vadd.s32 v7, v35;
	v40 =	vor.u32 v0, v25;
	v62 =	vld [tilespmem:$0x1FFD0]  }
0x127: {  	v30 =	vshra.s32 v30, $0x7;
	v34 =	vshll.u32 v34, $0x8;
	[tilespmem:v38+s21+$0x0] =	vst.idx.msk $0xffff, v29;
	v29 =	vshra.s32 v61, $0x7;
	v38 =	vld.idx.msk [tilespmem:v63+s18+$0x0], $0xffff  }
0x128: {  	v63 =	vld.idx.msk [tilespmem:v23+s23+$0x0], $0xffff;
	v23 =	vand.u32 $0x3800, v34;
	v61 =	vor.u32 $0x3C0, v0;
	v45 =	vadd.s32 v0, v29  }
0x129: {  	v46 =	vor.u32 v49, v23;
	[tilespmem:v52+s21+$0x0] =	vst.idx.msk $0xffff, v60;
	v52 =	vadd.s32 v0, v30;
	v6 =	vld.idx.msk [tilespmem:v6+s18+$0x0], $0xffff  }
0x12a: {  	[tilespmem:v26+s21+$0x0] =	vst.idx.msk $0xffff, v28;
	v26 =	vshra.s32 v4, $0x11;
	v28 =	vor.u32 v61, v17;
	v4 =	vld.idx.msk [tilespmem:v44+s15+$0x0], $0xffff  }
0x12b: {  	v27 =	vld.idx.msk [tilespmem:v27+s23+$0x0], $0xffff  }
0x12c: {  	v31 =	vadd.s32 v7, v31;
	v19 =	vadd.s32 v7, v19;
	v48 =	vld [tilespmem:$0x1FD80];
	v60 =	vor.u32 $0x330, v0  }
0x12d: {  	v49 =	vor.u32 v62, v23;
	v35 =	vld.idx.msk [tilespmem:v35+s15+$0x0], $0xffff;
	v44 =	vor.u32 v60, v10;
	[tilespmem:v40+s21+$0x0] =	vst.idx.msk $0xffff, v38  }
0x12e: {  	s6 =	sadd.s32 $0xA, s5;
	v47 =	vadd.s32 v0, v26;
	v38 =	vadd.s32 v7, v21;
	v21 =	vld.idx.msk [tilespmem:v45+s15+$0x0], $0xffff;
	[tilespmem:v46+s21+$0x0] =	vst.idx.msk $0xffff, v6  }
0x12f: {  	v45 =	vor.u32 v55, v25;
	[tilespmem:v28+s21+$0x0] =	vst.idx.msk $0xffff, v4;
	v4 =	vadd.s32 v7, v36;
	v6 =	vld.idx.msk [tilespmem:v52+s15+$0x0], $0xffff;
	v52 =	vmov s6  }
0x130: {  	v46 =	vand.u32 $0x1FFFF, v27;
	v55 =	vand.u32 $0xFFFFFFFA, v52;
	v52 =	vand.u32 $0x80, v4  }
0x131: {  	v28 =	vadd.s32 v0, v46;
	v4 =	vand.u32 $0x7F, v4;
	v37 =	vadd.s32 v37, v52  }
0x132: {  	v62 =	vadd.s32 $0x3E1, v0;
	v36 =	vbroadcast v55, $0x0;
	v37 =	vor.u32 v4, v37;
	v4 =	vld [tilespmem:$0x1FF80]  }
0x133: {  	v40 =	vand.u32 $0x1FFFF, v63;
	[tilespmem:v44+s21+$0x0] =	vst.idx.msk $0xffff, v35;
	v35 =	vld.idx.msk [tilespmem:v47+s15+$0x0], $0xffff;
	v47 =	vor.u32 v62, v17  }
0x134: {  	v31 =	vld.idx.msk [tilespmem:v31+s15+$0x0], $0xffff;
	v34 =	vor.u32 v48, v5;
	v48 =	vadd.s32 v0, v40  }
0x135: {  	v19 =	vld.idx.msk [tilespmem:v19+s15+$0x0], $0xffff;
	[tilespmem:v49+s21+$0x0] =	vst.idx.msk $0xffff, v6  }
0x136: {  	v49 =	vshra.s32 v27, $0x11;
	v27 =	vld.idx.msk [tilespmem:v28+s15+$0x0], $0xffff;
	v28 =	vor.u32 v51, v23  }
0x137: {  	v33 =	vadd.s32 v7, v33;
	[tilespmem:v45+s21+$0x0] =	vst.idx.msk $0xffff, v21;
	v21 =	vor.u32 v4, v5;
	v5 =	vld [tilespmem:$0x1FF90]  }
0x138: {  	v41 =	vadd.s32 v7, v41;
	v44 =	vshra.s32 v63, $0x11;
	[tilespmem:v47+s21+$0x0] =	vst.idx.msk $0xffff, v35;
	v35 =	vld.idx.msk [tilespmem:v36+s22+$0x0], $0xffff  }
0x139: {  	v63 =	vor.u32 $0x350, v0;
	v55 =	vand.u32 $0x80, v41;
	v45 =	vld.idx.msk [tilespmem:v48+s15+$0x0], $0xffff;
	v48 =	vor.u32 v50, v25  }
0x13a: {  	s6 =	sadd.s32 $0xA, s17;
	v50 =	vadd.s32 v0, v44;
	v6 =	vor.u32 v63, v10;
	v47 =	vor.u32 v53, v25  }
0x13b: {  	v51 =	vadd.s32 v7, v22;
	[tilespmem:v28+s21+$0x0] =	vst.idx.msk $0xffff, v27;
	v28 =	vadd.s32 v43, v55;
	v43 =	vmov s6  }
0x13c: {  	[tilespmem:v24+s21+$0x0] =	vst.idx.msk $0xffff, v31;
	v31 =	vld [tilespmem:$0x1FE10];
	v52 =	vadd.s32 v0, v49;
	v4 =	vor.u32 $0x390, v0;
	v55 =	vshll.u32 v43, $0x7  }
0x13d: {  	v37 =	vld.idx.msk [tilespmem:v37+s18+$0x0], $0xffff;
	v22 =	vor.u32 v5, v10;
	v10 =	vor.u32 v4, v17;
	v53 =	vand.u32 $0x7F, v35  }
0x13e: {  	[tilespmem:v34+s21+$0x0] =	vst.idx.msk $0xffff, v19;
	v19 =	vor.u32 v55, v53;
	v55 =	vadd.s32 v7, v29;
	v29 =	vld [tilespmem:$0x1FE40]  }
0x13f: {  	v18 =	vadd.s32 v7, v18;
	v33 =	vld.idx.msk [tilespmem:v33+s15+$0x0], $0xffff;
	[tilespmem:v48+s21+$0x0] =	vst.idx.msk $0xffff, v45  }
0x140: {  	v45 =	vld.idx.msk [tilespmem:v50+s15+$0x0], $0xffff;
	v50 =	vand.u32 $0x7F, v41;
	s6 =	sadd.s32 $0xB, s5  }
0x141: {  	v39 =	vadd.s32 v7, v39;
	v36 =	vld.idx.msk [tilespmem:v36+s23+$0x0], $0xffff;
	v41 =	vor.u32 v50, v28;
	v50 =	vmov s6  }
0x142: {  	v24 =	vld.idx.msk [tilespmem:v52+s15+$0x0], $0xffff;
	v52 =	vand.u32 $0xFFFFFFFB, v50;
	[tilespmem:v10+s21+$0x0] =	vst.idx.msk $0xffff, v37;
	v10 =	vadd.s32 v0, v19  }
0x143: {  	v34 =	vbroadcast v52, $0x0;
	v52 =	vshll.u32 v43, $0x8;
	v43 =	vor.u32 v29, v25;
	v29 =	vld [tilespmem:$0x1FE60]  }
0x144: {  	v48 =	vld.idx.msk [tilespmem:v18+s15+$0x0], $0xffff  }
0x145: {  	v27 =	vld.idx.msk [tilespmem:v38+s15+$0x0], $0xffff  }
0x146: {  	v32 =	vadd.s32 v7, v32;
	v31 =	vor.u32 v31, v23;
	[tilespmem:v6+s21+$0x0] =	vst.idx.msk $0xffff, v33;
	v37 =	vld.idx.msk [tilespmem:v39+s15+$0x0], $0xffff  }
0x147: {  	v5 =	vor.u32 $0x3B0, v0;
	v18 =	vshra.s32 v35, $0x7;
	[tilespmem:v47+s21+$0x0] =	vst.idx.msk $0xffff, v45;
	v45 =	vld.idx.msk [tilespmem:v10+s18+$0x0], $0xffff;
	v10 =	vand.u32 $0x3800, v52  }
0x148: {  	v33 =	vor.u32 v5, v17;
	v35 =	vor.u32 v29, v10;
	v29 =	vor.u32 v8, v25;
	v8 =	vld [tilespmem:$0x1FE30]  }
0x149: {  	v50 =	vld [tilespmem:$0x1FE50]  }
0x14a: {  	v53 =	vld [tilespmem:$0x1FFA0]  }
0x14b: {  	v38 =	vadd.s32 v7, v42;
	v42 =	vadd.s32 v7, v26;
	v26 =	vld.idx.msk [tilespmem:v32+s18+$0x0], $0xffff;
	[tilespmem:v31+s21+$0x0] =	vst.idx.msk $0xffff, v24  }
0x14c: {  	v32 =	vor.u32 v7, v25;
	v24 =	vld.idx.msk [tilespmem:v41+s18+$0x0], $0xffff  }
0x14d: {  	[tilespmem:v33+s21+$0x0] =	vst.idx.msk $0xffff, v37;
	v33 =	vor.u32 v8, v23;
	v8 =	vld [tilespmem:$0x1FCA0]  }
0x14e: {  	s6 =	sadd.s32 $0xC, s5;
	v41 =	vor.u32 v50, v23;
	v50 =	vld.idx.msk [tilespmem:v51+s15+$0x0], $0xffff  }
0x14f: {  	v30 =	vadd.s32 v7, v30;
	v28 =	vor.u32 v53, v17;
	v53 =	vmov s6;
	v47 =	vld.idx.msk [tilespmem:v34+s22+$0x0], $0xffff  }
0x150: {  	v31 =	vor.u32 v54, v25;
	v54 =	vand.u32 $0xFFFFFFFC, v53;
	v53 =	vld [tilespmem:$0x1FEE0]  }
0x151: {  	s6 =	sadd.s32 $0xD, s5;
	[tilespmem:v32+s21+$0x0] =	vst.idx.msk $0xffff, v26;
	v26 =	vld.idx.msk [tilespmem:v34+s23+$0x0], $0xffff  }
0x152: {  	v32 =	vld.idx.msk [tilespmem:v55+s15+$0x0], $0xffff;
	v55 =	vmov s6;
	v25 =	vadd.s32 v0, v18  }
0x153: {  	[tilespmem:v41+s21+$0x0] =	vst.idx.msk $0xffff, v24;
	v51 =	vand.u32 $0xFFFFFFFD, v55;
	v52 =	vld [tilespmem:$0x1FE70]  }
0x154: {  	[tilespmem:v9+s21+$0x0] =	vst.idx.msk $0xffff, v14;
	v40 =	vadd.s32 v7, v40;
	v6 =	vor.u32 $0x3D0, v0;
	v30 =	vld.idx.msk [tilespmem:v30+s15+$0x0], $0xffff;
	v51 =	vbroadcast v51, $0x0  }
0x155: {  	s6 =	sadd.s32 $0xB, s17;
	v41 =	vbroadcast v54, $0x0;
	v24 =	vand.u32 $0x7F, v47;
	[tilespmem:v8+s21+$0x0] =	vst.idx.msk $0xffff, v11;
	v11 =	vor.u32 v53, v10;
	v53 =	vld [tilespmem:$0x1FEF0]  }
0x156: {  	v39 =	vor.u32 v6, v17;
	v37 =	vld.idx.msk [tilespmem:v38+s15+$0x0], $0xffff;
	v54 =	vadd.s32 v0, v24;
	[tilespmem:v35+s21+$0x0] =	vst.idx.msk $0xffff, v45;
	v35 =	vmov s6  }
0x157: {  	v9 =	vshra.s32 v36, $0x11;
	[tilespmem:v31+s21+$0x0] =	vst.idx.msk $0xffff, v32;
	v31 =	vand.u32 $0x80, v54;
	s6 =	sadd.s32 $0xE, s5;
	v8 =	vld.idx.msk [tilespmem:v25+s15+$0x0], $0xffff;
	v25 =	vshll.u32 v35, $0x7  }
0x158: {  	[tilespmem:v12+s21+$0x0] =	vst.idx.msk $0xffff, v15;
	v45 =	vand.u32 $0x7F, v54;
	v54 =	vld [tilespmem:$0x1FE80];
	v55 =	vmov s6;
	v31 =	vadd.s32 v25, v31  }
0x159: {  	[tilespmem:v20+s21+$0x0] =	vst.idx.msk $0xffff, v48;
	v17 =	vand.u32 $0x1FFFF, v36;
	v32 =	vand.u32 $0xFFFFFFFE, v55;
	v55 =	vld [tilespmem:$0x1FF10];
	v15 =	vor.u32 v45, v31  }
0x15a: {  	v38 =	vadd.s32 v7, v46;
	v46 =	vor.u32 v52, v23;
	v36 =	vor.u32 v53, v23;
	v23 =	vld.idx.msk [tilespmem:v51+s22+$0x0], $0xffff  }
0x15b: {  	v44 =	vadd.s32 v7, v44;
	v52 =	vadd.s32 v0, v17;
	[tilespmem:v39+s21+$0x0] =	vst.idx.msk $0xffff, v37;
	v31 =	vld.idx.msk [tilespmem:v41+s22+$0x0], $0xffff  }
0x15c: {  	v49 =	vadd.s32 v7, v49;
	v34 =	vld.idx.msk [tilespmem:v40+s15+$0x0], $0xffff;
	v32 =	vbroadcast v32, $0x0;
	[tilespmem:v33+s21+$0x0] =	vst.idx.msk $0xffff, v30;
	v35 =	vshll.u32 v35, $0x8  }
0x15d: {  	v14 =	vshra.s32 v47, $0x7;
	s6 =	sadd.s32 $0xF, s5;
	v20 =	vld.idx.msk [tilespmem:v42+s15+$0x0], $0xffff;
	v30 =	vor.u32 v54, v10;
	[tilespmem:v11+s21+$0x0] =	vst.idx.msk $0xffff, v8;
	v8 =	vand.u32 $0x3800, v35  }
0x15e: {  	[tilespmem:v16+s21+$0x0] =	vst.idx.msk $0xffff, v13;
	s5 =	sadd.s32 $0xC, s17;
	v33 =	vadd.s32 v0, v14;
	v35 =	vmov s6;
	s6 =	sadd.s32 $0xD, s17;
	v11 =	vor.u32 v55, v8;
	v13 =	vld.idx.msk [tilespmem:v15+s18+$0x0], $0xffff  }
0x15f: {  	v38 =	vld.idx.msk [tilespmem:v38+s15+$0x0], $0xffff;
	v42 =	vmov s6;
	v15 =	vmov s5;
	v39 =	vand.u32 $0x7F, v23  }
0x160: {  	[tilespmem:v21+s21+$0x0] =	vst.idx.msk $0xffff, v27;
	v45 =	vld.idx.msk [tilespmem:v52+s15+$0x0], $0xffff;
	v53 =	vand.u32 $0x7F, v31;
	v37 =	vshll.u32 v15, $0x7;
	v48 =	vadd.s32 v0, v39  }
0x161: {  	v21 =	vld.idx.msk [tilespmem:v41+s23+$0x0], $0xffff;
	[tilespmem:v43+s21+$0x0] =	vst.idx.msk $0xffff, v34;
	v37 =	vor.u32 v37, v53;
	v53 =	vshll.u32 v42, $0x7;
	v43 =	vand.u32 $0x80, v48  }
0x162: {  	v54 =	vld.idx.msk [tilespmem:v32+s22+$0x0], $0xffff;
	v15 =	vshll.u32 v15, $0x8;
	v48 =	vand.u32 $0x7F, v48;
	v43 =	vadd.s32 v53, v43  }
0x163: {  	[tilespmem:v11+s21+$0x0] =	vst.idx.msk $0xffff, v13;
	v11 =	vand.u32 $0x3800, v15;
	v15 =	vor.u32 v48, v43;
	v48 =	vld [tilespmem:$0x1FCC0]  }
0x164: {  	[tilespmem:v46+s21+$0x0] =	vst.idx.msk $0xffff, v38;
	v38 =	vld.idx.msk [tilespmem:v44+s15+$0x0], $0xffff;
	v34 =	vadd.s32 v0, v37  }
0x165: {  	v52 =	vor.u32 v56, v8;
	[tilespmem:v30+s21+$0x0] =	vst.idx.msk $0xffff, v45;
	v30 =	vld.idx.msk [tilespmem:v33+s15+$0x0], $0xffff  }
0x166: {  	v55 =	vld.idx.msk [tilespmem:v35+s22+$0x0], $0xffff  }
0x167: {  	v46 =	vld.idx.msk [tilespmem:v49+s15+$0x0], $0xffff  }
0x168: {  	s5 =	sadd.s32 $0xE, s17;
	v44 =	vor.u32 v48, v11;
	v48 =	vld [tilespmem:$0x1FD20]  }
0x169: {  	[tilespmem:v22+s21+$0x0] =	vst.idx.msk $0xffff, v50;
	v40 =	vadd.s32 v0, v9;
	v16 =	vshra.s32 v31, $0x7;
	v43 =	vmov s5;
	v22 =	vld.idx.msk [tilespmem:v34+s18+$0x0], $0xffff  }
0x16a: {  	v31 =	vadd.s32 v0, v16;
	v13 =	vand.u32 $0x7F, v54;
	v49 =	vshll.u32 v43, $0x7;
	[tilespmem:v52+s21+$0x0] =	vst.idx.msk $0xffff, v30;
	v30 =	vld.idx.msk [tilespmem:v51+s23+$0x0], $0xffff  }
0x16b: {  	s6 =	sadd.s32 $0xF, s17;
	v41 =	vand.u32 $0x7F, v55;
	v33 =	vor.u32 v49, v13;
	v49 =	vshll.u32 v42, $0x8;
	v51 =	vld [tilespmem:$0x1FCD0]  }
0x16c: {  	v34 =	vmov s6;
	v42 =	vadd.s32 v0, v41;
	v13 =	vand.u32 $0x3800, v49;
	v52 =	vld [tilespmem:$0x1FE90]  }
0x16d: {  	[tilespmem:v28+s21+$0x0] =	vst.idx.msk $0xffff, v20;
	v20 =	vld.idx.msk [tilespmem:v15+s18+$0x0], $0xffff;
	v15 =	vand.u32 $0x80, v42;
	v28 =	vor.u32 v48, v13;
	v48 =	vshll.u32 v34, $0x7  }
0x16e: {  	v27 =	vadd.s32 v0, v33;
	v42 =	vand.u32 $0x7F, v42;
	v49 =	vadd.s32 v48, v15  }
0x16f: {  	v23 =	vshra.s32 v23, $0x7;
	v42 =	vor.u32 v42, v49;
	v49 =	vld [tilespmem:$0x1FD90]  }
0x170: {  	v45 =	vadd.s32 v0, v23;
	[tilespmem:v44+s21+$0x0] =	vst.idx.msk $0xffff, v22;
	v44 =	vor.u32 v51, v11;
	v51 =	vld [tilespmem:$0x1FD30]  }
0x171: {  	v40 =	vld.idx.msk [tilespmem:v40+s15+$0x0], $0xffff;
	v50 =	vor.u32 v52, v10  }
0x172: {  	[tilespmem:v29+s21+$0x0] =	vst.idx.msk $0xffff, v38;
	v43 =	vshll.u32 v43, $0x8;
	v31 =	vld.idx.msk [tilespmem:v31+s15+$0x0], $0xffff  }
0x173: {  	[tilespmem:v36+s21+$0x0] =	vst.idx.msk $0xffff, v46;
	v27 =	vld.idx.msk [tilespmem:v27+s18+$0x0], $0xffff;
	v15 =	vand.u32 $0x3800, v43  }
0x174: {  	v29 =	vand.u32 $0x1FFFF, v21;
	v22 =	vld.idx.msk [tilespmem:v32+s23+$0x0], $0xffff;
	[tilespmem:v28+s21+$0x0] =	vst.idx.msk $0xffff, v20;
	v43 =	vor.u32 v49, v15  }
0x175: {  	v20 =	vshll.u32 v34, $0x8;
	v36 =	vor.u32 v51, v13;
	v34 =	vld.idx.msk [tilespmem:v45+s15+$0x0], $0xffff;
	v49 =	vadd.s32 v0, v29  }
0x176: {  	[tilespmem:v50+s21+$0x0] =	vst.idx.msk $0xffff, v40;
	v50 =	vld [tilespmem:$0x1FDA0]  }
0x177: {  	[tilespmem:v44+s21+$0x0] =	vst.idx.msk $0xffff, v31;
	v44 =	vld [tilespmem:$0x1FCE0]  }
0x178: {  	v38 =	vshra.s32 v54, $0x7;
	v42 =	vld.idx.msk [tilespmem:v42+s18+$0x0], $0xffff  }
0x179: {  	v12 =	vand.u32 $0x1FFFF, v26;
	v32 =	vadd.s32 v0, v38;
	[tilespmem:v43+s21+$0x0] =	vst.idx.msk $0xffff, v27;
	v43 =	vld [tilespmem:$0x1FF00]  }
0x17a: {  	v47 =	vadd.s32 v0, v12;
	v20 =	vand.u32 $0x3800, v20;
	[tilespmem:v36+s21+$0x0] =	vst.idx.msk $0xffff, v34;
	v34 =	vld.idx.msk [tilespmem:v49+s15+$0x0], $0xffff  }
0x17b: {  	v51 =	vor.u32 v58, v20;
	v49 =	vld [tilespmem:$0x1FD40]  }
0x17c: {  	v35 =	vld.idx.msk [tilespmem:v35+s23+$0x0], $0xffff  }
0x17d: {  	v19 =	vadd.s32 v7, v19;
	v54 =	vld [tilespmem:$0x1FFB0];
	v28 =	vand.u32 $0x1FFFF, v30;
	v36 =	vor.u32 v44, v11  }
0x17e: {  	v46 =	vshra.s32 v55, $0x7;
	v45 =	vadd.s32 v0, v28;
	v50 =	vor.u32 v50, v15;
	v32 =	vld.idx.msk [tilespmem:v32+s15+$0x0], $0xffff  }
0x17f: {  	v47 =	vld.idx.msk [tilespmem:v47+s15+$0x0], $0xffff;
	v40 =	vand.u32 $0x1FFFF, v22;
	v27 =	vor.u32 v43, v8;
	v43 =	vadd.s32 v0, v46  }
0x180: {  	v31 =	vadd.s32 v0, v40;
	[tilespmem:v51+s21+$0x0] =	vst.idx.msk $0xffff, v42;
	v42 =	vor.u32 v49, v13;
	v49 =	vld [tilespmem:$0x1FDB0]  }
0x181: {  	v55 =	vld [tilespmem:$0x1FDE0]  }
0x182: {  	v21 =	vshra.s32 v21, $0x11;
	v19 =	vld.idx.msk [tilespmem:v19+s18+$0x0], $0xffff;
	[tilespmem:v36+s21+$0x0] =	vst.idx.msk $0xffff, v34  }
0x183: {  	v26 =	vshra.s32 v26, $0x11;
	v44 =	vld.idx.msk [tilespmem:v45+s15+$0x0], $0xffff;
	v36 =	vadd.s32 v0, v21;
	[tilespmem:v50+s21+$0x0] =	vst.idx.msk $0xffff, v32  }
0x184: {  	v45 =	vor.u32 v59, v20;
	[tilespmem:v27+s21+$0x0] =	vst.idx.msk $0xffff, v47;
	v43 =	vld.idx.msk [tilespmem:v43+s15+$0x0], $0xffff;
	v47 =	vadd.s32 v0, v26  }
0x185: {  	v31 =	vld.idx.msk [tilespmem:v31+s15+$0x0], $0xffff;
	v27 =	vand.u32 $0x1FFFF, v35;
	v49 =	vor.u32 v49, v15  }
0x186: {  	v24 =	vadd.s32 v7, v24;
	v51 =	vld [tilespmem:$0x1FE00];
	v32 =	vadd.s32 v0, v27  }
0x187: {  	v30 =	vshra.s32 v30, $0x11;
	v34 =	vand.u32 $0x80, v24;
	v50 =	vld [tilespmem:$0x1FDF0]  }
0x188: {  	v25 =	vadd.s32 v25, v34;
	v34 =	vadd.s32 v0, v30;
	[tilespmem:v42+s21+$0x0] =	vst.idx.msk $0xffff, v44;
	v36 =	vld.idx.msk [tilespmem:v36+s15+$0x0], $0xffff  }
0x189: {  	v39 =	vadd.s32 v7, v39;
	[tilespmem:v45+s21+$0x0] =	vst.idx.msk $0xffff, v43;
	v44 =	vld.idx.msk [tilespmem:v47+s15+$0x0], $0xffff  }
0x18a: {  	v22 =	vshra.s32 v22, $0x11;
	[tilespmem:v49+s21+$0x0] =	vst.idx.msk $0xffff, v31;
	v31 =	vand.u32 $0x80, v39;
	v47 =	vld [tilespmem:$0x1FCF0]  }
0x18b: {  	v42 =	vadd.s32 v0, v22;
	v39 =	vand.u32 $0x7F, v39;
	v32 =	vld.idx.msk [tilespmem:v32+s15+$0x0], $0xffff;
	v31 =	vadd.s32 v53, v31  }
0x18c: {  	v24 =	vand.u32 $0x7F, v24;
	v43 =	vor.u32 v61, v20;
	v31 =	vor.u32 v39, v31;
	v39 =	vld [tilespmem:$0x1FD50]  }
0x18d: {  	v24 =	vor.u32 v24, v25;
	v25 =	vor.u32 v57, v8;
	v34 =	vld.idx.msk [tilespmem:v34+s15+$0x0], $0xffff  }
0x18e: {  	v35 =	vshra.s32 v35, $0x11;
	v49 =	vld [tilespmem:$0x1FFD0]  }
0x18f: {  	v45 =	vadd.s32 v0, v35;
	v53 =	vld [tilespmem:$0x1FE20]  }
0x190: {  	v42 =	vld.idx.msk [tilespmem:v42+s15+$0x0], $0xffff;
	v47 =	vor.u32 v47, v11  }
0x191: {  	v37 =	vadd.s32 v7, v37;
	[tilespmem:v43+s21+$0x0] =	vst.idx.msk $0xffff, v32;
	v43 =	vld [tilespmem:$0x1FDC0];
	v39 =	vor.u32 v39, v13  }
0x192: {  	[tilespmem:v25+s21+$0x0] =	vst.idx.msk $0xffff, v44;
	v44 =	vld [tilespmem:$0x1FEA0]  }
0x193: {  	v24 =	vld.idx.msk [tilespmem:v24+s18+$0x0], $0xffff  }
0x194: {  	v45 =	vld.idx.msk [tilespmem:v45+s15+$0x0], $0xffff  }
0x195: {  	v41 =	vadd.s32 v7, v41;
	[tilespmem:v47+s21+$0x0] =	vst.idx.msk $0xffff, v36;
	v47 =	vld [tilespmem:$0x1FEB0]  }
0x196: {  	v32 =	vor.u32 v43, v15;
	v43 =	vand.u32 $0x80, v41;
	[tilespmem:v39+s21+$0x0] =	vst.idx.msk $0xffff, v34;
	v34 =	vld.idx.msk [tilespmem:v37+s18+$0x0], $0xffff  }
0x197: {  	v43 =	vadd.s32 v48, v43;
	v48 =	vor.u32 v62, v20;
	v37 =	vld [tilespmem:$0x1FD00]  }
0x198: {  	v41 =	vand.u32 $0x7F, v41;
	v39 =	vld [tilespmem:$0x1FD60]  }
0x199: {  	v33 =	vadd.s32 v7, v33;
	v25 =	vor.u32 v41, v43;
	v43 =	vld [tilespmem:$0x1FF20]  }
0x19a: {  	v31 =	vld.idx.msk [tilespmem:v31+s18+$0x0], $0xffff  }
0x19b: {  	[tilespmem:v32+s21+$0x0] =	vst.idx.msk $0xffff, v42;
	v42 =	vld [tilespmem:$0x1FF30]  }
0x19c: {  	v41 =	vor.u32 v44, v10;
	[tilespmem:v48+s21+$0x0] =	vst.idx.msk $0xffff, v45;
	v45 =	vld [tilespmem:$0x1FF40]  }
0x19d: {  	v18 =	vadd.s32 v7, v18;
	v48 =	vld [tilespmem:$0x1FEC0]  }
0x19e: {  	v32 =	vor.u32 v39, v13;
	v33 =	vld.idx.msk [tilespmem:v33+s18+$0x0], $0xffff  }
0x19f: {  	v37 =	vor.u32 v37, v11;
	v39 =	vld [tilespmem:$0x1FDD0]  }
0x1a0: {  	v36 =	vor.u32 v43, v8;
	v25 =	vld.idx.msk [tilespmem:v25+s18+$0x0], $0xffff  }
0x1a1: {  	v16 =	vadd.s32 v7, v16;
	[tilespmem:v41+s21+$0x0] =	vst.idx.msk $0xffff, v19;
	v41 =	vmov v57;
	v57 =	vld [tilespmem:$0x1FD70]  }
0x1a2: {  	v14 =	vadd.s32 v7, v14;
	v18 =	vld.idx.msk [tilespmem:v18+s15+$0x0], $0xffff  }
0x1a3: {  	v23 =	vadd.s32 v7, v23;
	[tilespmem:v32+s21+$0x0] =	vst.idx.msk $0xffff, v31;
	v31 =	vld [tilespmem:$0x1FD10]  }
0x1a4: {  	v19 =	vadd.s32 v7, v38;
	v38 =	vor.u32 v4, v20;
	[tilespmem:v37+s21+$0x0] =	vst.idx.msk $0xffff, v34;
	v37 =	vld [tilespmem:$0x1FEF0]  }
0x1a5: {  	v39 =	vor.u32 v39, v15;
	[tilespmem:v36+s21+$0x0] =	vst.idx.msk $0xffff, v24;
	v36 =	vadd.s32 v7, v46;
	v46 =	vld [tilespmem:$0x1FFC0]  }
0x1a6: {  	v24 =	vor.u32 v47, v10;
	v16 =	vld.idx.msk [tilespmem:v16+s15+$0x0], $0xffff  }
0x1a7: {  	v34 =	vor.u32 v42, v8;
	v14 =	vld.idx.msk [tilespmem:v14+s15+$0x0], $0xffff  }
0x1a8: {  	v17 =	vadd.s32 v7, v17;
	v23 =	vld.idx.msk [tilespmem:v23+s15+$0x0], $0xffff;
	v31 =	vor.u32 v31, v11  }
0x1a9: {  	v29 =	vadd.s32 v7, v29;
	[tilespmem:v38+s21+$0x0] =	vst.idx.msk $0xffff, v25;
	v38 =	vld [tilespmem:$0x1FF10]  }
0x1aa: {  	v32 =	vor.u32 v57, v13;
	[tilespmem:v39+s21+$0x0] =	vst.idx.msk $0xffff, v33;
	v39 =	vld [tilespmem:$0x1FED0]  }
0x1ab: {  	v57 =	vadd.s32 v7, v28;
	v28 =	vor.u32 v60, v15;
	v19 =	vld.idx.msk [tilespmem:v19+s15+$0x0], $0xffff;
	[tilespmem:v24+s21+$0x0] =	vst.idx.msk $0xffff, v18  }
0x1ac: {  	v24 =	vld.idx.msk [tilespmem:v36+s15+$0x0], $0xffff;
	[tilespmem:v34+s21+$0x0] =	vst.idx.msk $0xffff, v14  }
0x1ad: {  	v14 =	vld.idx.msk [tilespmem:v17+s15+$0x0], $0xffff;
	[tilespmem:v31+s21+$0x0] =	vst.idx.msk $0xffff, v16  }
0x1ae: {  	v12 =	vadd.s32 v7, v12;
	v18 =	vadd.s32 v7, v40;
	v40 =	vmov v56;
	v56 =	vld.idx.msk [tilespmem:v29+s15+$0x0], $0xffff  }
0x1af: {  	v27 =	vadd.s32 v7, v27;
	v33 =	vor.u32 v5, v20;
	[tilespmem:v32+s21+$0x0] =	vst.idx.msk $0xffff, v23;
	v29 =	vld [tilespmem:$0x1FF60]  }
0x1b0: {  	v17 =	vor.u32 v48, v10;
	[tilespmem:v28+s21+$0x0] =	vst.idx.msk $0xffff, v19;
	v19 =	vadd.s32 v7, v21;
	v21 =	vld.idx.msk [tilespmem:v57+s15+$0x0], $0xffff  }
0x1b1: {  	v57 =	vld [tilespmem:$0x1FD80]  }
0x1b2: {  	v36 =	vld [tilespmem:$0x1FEE0]  }
0x1b3: {  	v12 =	vld.idx.msk [tilespmem:v12+s15+$0x0], $0xffff  }
0x1b4: {  	v9 =	vadd.s32 v7, v9;
	v16 =	vor.u32 v45, v8;
	[tilespmem:v33+s21+$0x0] =	vst.idx.msk $0xffff, v24;
	v18 =	vld.idx.msk [tilespmem:v18+s15+$0x0], $0xffff  }
0x1b5: {  	[tilespmem:v17+s21+$0x0] =	vst.idx.msk $0xffff, v14;
	v17 =	vld.idx.msk [tilespmem:v27+s15+$0x0], $0xffff;
	v29 =	vor.u32 v29, v11  }
0x1b6: {  	v28 =	vor.u32 v63, v15;
	v25 =	vor.u32 v57, v13;
	v57 =	vld [tilespmem:$0x1FF70]  }
0x1b7: {  	v14 =	vadd.s32 v7, v22;
	v27 =	vld [tilespmem:$0x1FF90]  }
0x1b8: {  	v23 =	vadd.s32 v7, v26;
	v26 =	vld [tilespmem:$0x1FF80]  }
0x1b9: {  	v24 =	vadd.s32 v7, v30;
	v9 =	vld.idx.msk [tilespmem:v9+s15+$0x0], $0xffff;
	[tilespmem:v16+s21+$0x0] =	vst.idx.msk $0xffff, v12  }
0x1ba: {  	v10 =	vor.u32 v39, v10;
	v22 =	vor.u32 v6, v20;
	[tilespmem:v29+s21+$0x0] =	vst.idx.msk $0xffff, v56;
	v56 =	vld [tilespmem:$0x1FF50]  }
0x1bb: {  	v12 =	vadd.s32 v7, v35;
	[tilespmem:v28+s21+$0x0] =	vst.idx.msk $0xffff, v18;
	v11 =	vor.u32 v57, v11;
	v57 =	vld [tilespmem:$0x1FFA0]  }
0x1bc: {  	v15 =	vor.u32 v27, v15;
	v14 =	vld.idx.msk [tilespmem:v14+s15+$0x0], $0xffff  }
0x1bd: {  	[tilespmem:v25+s21+$0x0] =	vst.idx.msk $0xffff, v21;
	v19 =	vld.idx.msk [tilespmem:v19+s15+$0x0], $0xffff  }
0x1be: {  	v13 =	vor.u32 v26, v13;
	v25 =	vld.idx.msk [tilespmem:v24+s15+$0x0], $0xffff  }
0x1bf: {  	v16 =	vld.idx.msk [tilespmem:v23+s15+$0x0], $0xffff;
	[tilespmem:v22+s21+$0x0] =	vst.idx.msk $0xffff, v17;
	v8 =	vor.u32 v56, v8  }
0x1c0: {  	p1 =	slt.u32 s17, $0x30;
	[tilespmem:v10+s21+$0x0] =	vst.idx.msk $0xffff, v9;
	v56 =	vld.idx.msk [tilespmem:v12+s15+$0x0], $0xffff;
	v10 =	vor.u32 v57, v20  }
.Ltmp2:
0x1c1: {  	v32 =	vld [tilespmem:$0x1FE10];
	[tilespmem:v15+s21+$0x0] =	vst.idx.msk $0xffff, v14;
	(pc) =	sbr.rel @p1 .LBB2_7-.Ltmp2, $4  }
0x1c2: {  	v34 =	vld [tilespmem:$0x1FE70];
	[tilespmem:v11+s21+$0x0] =	vst.idx.msk $0xffff, v19  }
0x1c3: {  	v31 =	vld [tilespmem:$0x1FE40];
	[tilespmem:v13+s21+$0x0] =	vst.idx.msk $0xffff, v25  }
0x1c4: {  	v33 =	vld [tilespmem:$0x1FE50];
	[tilespmem:v8+s21+$0x0] =	vst.idx.msk $0xffff, v16  }
0x1c5: {  	s17 =	sadd.s32 $0x10, s17;
	v35 =	vld [tilespmem:$0x1FE60];
	[tilespmem:v10+s21+$0x0] =	vst.idx.msk $0xffff, v56  }
0x1c6: {  	p1 =	sne.s32 s13, $0x3  }
.Ltmp3:
0x1c7: {  	_ = 	snop;
	(pc) =	sbr.rel @p1 .LBB2_10-.Ltmp3, $4  }
0x1c8: {  	_ = 	snop  }
0x1c9: {  	s1 =	sshll.u32 s13, $0xC  }
0x1ca: {  	s1 =	sadd.s32 s1, s9  }
0x1cb: {  	[hbm4b:s1+s3] =	stream.linear.scatter [tilespmem:s21], [sflag:$0x3], $0x4000, $0x38;
	[tilespmem:$0xE280] =	vst v63  }
.Ltmp4:
0x1cc: {  	(pc) =	sbr.rel .LBB2_11-.Ltmp4, $4  }
0x1cd: {  	_ = 	snop  }
0x1ce: {  	_ =	swait.ge [sflag:s24], $0x2000  }
0x1cf: {  	[sflag:s24] =	ssyncset.done $0x0  }
0x1d0: {  	[sflag:s24] =	ssyncadd.s32 $0xFFFFE000  }
.LBB2_10:
0x1d1: {  	s1 =	sshll.u32 s13, $0x7  }
0x1d2: {  	s1 =	sand.u32 $0x3FFFFF80, s1  }
.Ltmp5:
0x1d3: {  	s1 =	sadd.s32 $0x880, s1;
	(pc) =	sbr.rel @p0 .LBB2_12-.Ltmp5, $4  }
0x1d4: {  	[tilespmem:s18], [sflag:$0x1] =	stream.indirect.gather [hbm4b:s4+s16], $0x80, s1, s16, $0xb8;
	[tilespmem:$0xE280] =	vst v63  }
0x1d5: {  	_ =	swait.ge [sflag:s24], $0x2000  }
0x1d6: {  	[sflag:s24] =	ssyncset.done $0x0  }
0x1d7: {  	[sflag:s24] =	ssyncadd.s32 $0xFFFFE000  }
.LBB2_11:
0x1d8: {  	_ =	swait.ge [sflag:s25], $0x4000  }
0x1d9: {  	[sflag:s25] =	ssyncset.done $0x0  }
0x1da: {  	[sflag:s25] =	ssyncadd.s32 $0xFFFFC000  }
.LBB2_12:
0x1db: {  	s17 =	simm.s32 $0x0  }
0x1dc: {  	v8 =	vmov s17  }
0x1dd: {  	v8 =	vshll.u32 v8, $0x8  }
0x1de: {  	v8 =	vor.u32 v1, v8  }
0x1df: {  	v11 =	vand.u32 $0x3800, v8  }
0x1e0: {  	v9 =	vld [tilespmem:s2+$0x0];
	s1 =	simm.s32 $0x10;
	v10 =	vor.u32 v2, v11  }
0x1e1: {  	v8 =	vmov s1  }
0x1e2: {  	v8 =	vshll.u32 v8, $0x8  }
0x1e3: {  	v8 =	vor.u32 v1, v8  }
0x1e4: {  	s5 =	sadd.s32 $0x10, s2;
	v8 =	vand.u32 $0x3800, v8  }
0x1e5: {  	v12 =	vor.u32 v2, v8;
	[tilespmem:v10+s26+$0x0] =	vst.idx.msk $0xffff, v9;
	v10 =	vld [tilespmem:s5+$0x0]  }
0x1e6: {  	s6 =	simm.s32 $0x20;
	s1 =	smov.u32 s7;
	v11 =	vor.u32 v3, v11;
	v9 =	vld [tilespmem:s7+$0x0]  }
.LBB2_13:
0x1e7: {  	v13 =	vmov s6;
	p0 =	sne.s32 s6, $0x30  }
.Ltmp6:
0x1e8: {  	s6 =	sadd.s32 $0x10, s6;
	v13 =	vshll.u32 v13, $0x8;
	(pc) =	sbr.rel @p0 .LBB2_13-.Ltmp6, $4  }
0x1e9: {  	v13 =	vor.u32 v1, v13  }
0x1ea: {  	s5 =	sadd.s32 $0x10, s5;
	v13 =	vand.u32 $0x3800, v13;
	[tilespmem:v12+s26+$0x0] =	vst.idx.msk $0xffff, v10  }
0x1eb: {  	s1 =	sadd.s32 $0x10, s1;
	v10 =	vld [tilespmem:s5+$0x0];
	v12 =	vor.u32 v2, v13;
	[tilespmem:v11+s26+$0x0] =	vst.idx.msk $0xffff, v9  }
0x1ec: {  	v11 =	vor.u32 v3, v8;
	v8 =	vmov v13;
	v9 =	vld [tilespmem:s1+$0x0]  }
0x1ed: {  	_ =	sdelay $0x3  }
0x1ee: {  	s1 =	sadd.s32 $0x10, s1;
	[tilespmem:v12+s26+$0x0] =	vst.idx.msk $0xffff, v10  }
0x1ef: {  	v8 =	vor.u32 v3, v8;
	v10 =	vld [tilespmem:s1+$0x0];
	_ =	sdelay $0x3  }
0x1f0: {  	[tilespmem:v11+s26+$0x0] =	vst.idx.msk $0xffff, v9  }
0x1f1: {  	[tilespmem:v8+s26+$0x0] =	vst.idx.msk $0xffff, v10  }
0x1f2: {  	[tilespmem:$0x1FC60] =	vst v58  }
0x1f3: {  	[tilespmem:$0x1FC70] =	vst v59  }
0x1f4: {  	[tilespmem:$0x1FC80] =	vst v61  }
0x1f5: {  	[tilespmem:$0x1FC90] =	vst v60  }
.LBB2_15:
0x1f6: {  	s5 =	sadd.s32 s17, s12  }
0x1f7: {  	s1 =	sadd.s32 $0x40, s5  }
0x1f8: {  	v8 =	vmov s1  }
0x1f9: {  	s6 =	sadd.s32 $0x41, s5;
	v8 =	vand.u32 $0xFFFFFFF0, v8  }
0x1fa: {  	v9 =	vbroadcast v8, $0x0;
	v8 =	vmov s6  }
0x1fb: {  	v8 =	vand.u32 $0xFFFFFFF1, v8  }
0x1fc: {  	v11 =	vbroadcast v8, $0x0;
	_ =	sdelay $0x3  }
0x1fd: {  	v10 =	vld.idx.msk [tilespmem:v9+s22+$0x0], $0xffff;
	_ =	sdelay $0x1  }
0x1fe: {  	v37 =	vld.idx.msk [tilespmem:v11+s22+$0x0], $0xffff;
	_ =	sdelay $0x1  }
0x1ff: {  	v8 =	vmov s17  }
0x200: {  	v13 =	vshll.u32 v8, $0x7;
	v12 =	vand.u32 $0x7F, v10  }
0x201: {  	v12 =	vor.u32 v13, v12  }
0x202: {  	s6 =	sadd.s32 $0x1, s17;
	v14 =	vadd.s32 v0, v12;
	v15 =	vand.u32 $0x7F, v37  }
0x203: {  	v17 =	vmov s6;
	v18 =	vadd.s32 v0, v15  }
0x204: {  	v21 =	vshll.u32 v17, $0x7;
	v20 =	vand.u32 $0x80, v18  }
0x205: {  	v18 =	vand.u32 $0x7F, v18;
	v20 =	vadd.s32 v21, v20  }
0x206: {  	v8 =	vshll.u32 v8, $0x8;
	v18 =	vor.u32 v18, v20  }
0x207: {  	v16 =	vor.u32 v0, v8;
	v10 =	vshra.s32 v10, $0x7;
	v14 =	vld.idx.msk [tilespmem:v14+s19+$0x0], $0xffff  }
0x208: {  	s6 =	sadd.s32 $0x42, s5;
	v19 =	vld.idx.msk [tilespmem:v9+s23+$0x0], $0xffff;
	v38 =	vadd.s32 v0, v10  }
0x209: {  	v40 =	vshll.u32 v17, $0x8;
	v24 =	vmov s6  }
0x20a: {  	s6 =	sadd.s32 $0x43, s5;
	v24 =	vand.u32 $0xFFFFFFF2, v24;
	v45 =	vor.u32 v50, v8;
	v9 =	vand.u32 $0x3000, v40  }
0x20b: {  	v50 =	vmov s6;
	s6 =	sadd.s32 $0x44, s5;
	v43 =	vor.u32 v46, v9;
	v22 =	vshra.s32 v37, $0x7;
	v42 =	vld.idx.msk [tilespmem:v18+s19+$0x0], $0xffff  }
0x20c: {  	v44 =	vbroadcast v24, $0x0;
	v27 =	vmov s6;
	v11 =	vld.idx.msk [tilespmem:v11+s23+$0x0], $0xffff;
	v23 =	vadd.s32 v0, v22;
	[tilespmem:v16+s26+$0x0] =	vst.idx.msk $0xffff, v14  }
0x20d: {  	v39 =	vor.u32 v55, v8;
	v57 =	vand.u32 $0xFFFFFFF4, v27;
	v16 =	vand.u32 $0x1FFFF, v19;
	v14 =	vld.idx.msk [tilespmem:v38+s15+$0x0], $0xffff  }
0x20e: {  	v27 =	vbroadcast v57, $0x0;
	v41 =	vadd.s32 v0, v16;
	_ =	sdelay $0x1  }
0x20f: {  	v56 =	vor.u32 v53, v8;
	v53 =	vld [tilespmem:$0x1FE50];
	[tilespmem:v43+s26+$0x0] =	vst.idx.msk $0xffff, v42  }
0x210: {  	v49 =	vor.u32 v49, v9;
	v25 =	vand.u32 $0x1FFFF, v11;
	v13 =	vld.idx.msk [tilespmem:v23+s15+$0x0], $0xffff;
	v23 =	vand.u32 $0xFFFFFFF3, v50  }
0x211: {  	v60 =	vmov v55;
	v55 =	vld.idx.msk [tilespmem:v44+s22+$0x0], $0xffff;
	v26 =	vadd.s32 v0, v25;
	[tilespmem:v39+s26+$0x0] =	vst.idx.msk $0xffff, v14;
	v23 =	vbroadcast v23, $0x0  }
0x212: {  	v19 =	vshra.s32 v19, $0x11;
	v17 =	vld.idx.msk [tilespmem:v41+s15+$0x0], $0xffff  }
0x213: {  	v46 =	vadd.s32 v0, v19;
	v43 =	vld.idx.msk [tilespmem:v27+s22+$0x0], $0xffff  }
0x214: {  	v42 =	vor.u32 v32, v9;
	v32 =	vld.idx.msk [tilespmem:v44+s23+$0x0], $0xffff  }
0x215: {  	v44 =	vld [tilespmem:$0x1FF10];
	[tilespmem:v49+s26+$0x0] =	vst.idx.msk $0xffff, v13  }
0x216: {  	v58 =	vor.u32 v51, v9;
	v11 =	vshra.s32 v11, $0x11;
	v18 =	vld.idx.msk [tilespmem:v26+s15+$0x0], $0xffff  }
0x217: {  	s6 =	sadd.s32 $0x2, s17;
	v28 =	vadd.s32 v0, v11;
	v15 =	vadd.s32 v7, v15;
	[tilespmem:v45+s26+$0x0] =	vst.idx.msk $0xffff, v17;
	v31 =	vld.idx.msk [tilespmem:v23+s22+$0x0], $0xffff  }
0x218: {  	v59 =	vmov s6;
	v12 =	vadd.s32 v7, v12;
	v40 =	vand.u32 $0x80, v15;
	v20 =	vld.idx.msk [tilespmem:v46+s15+$0x0], $0xffff  }
0x219: {  	v15 =	vand.u32 $0x7F, v15;
	v41 =	vadd.s32 v21, v40;
	v40 =	vor.u32 v54, v8;
	v54 =	vld [tilespmem:$0x1FEF0]  }
0x21a: {  	v61 =	vor.u32 v7, v8;
	v30 =	vshll.u32 v59, $0x7;
	v15 =	vor.u32 v15, v41;
	v41 =	vld [tilespmem:$0x1FE80]  }
0x21b: {  	s6 =	sadd.s32 $0x3, s17;
	v10 =	vadd.s32 v7, v10;
	v29 =	vand.u32 $0x7F, v55;
	v13 =	vshll.u32 v59, $0x8;
	[tilespmem:v58+s26+$0x0] =	vst.idx.msk $0xffff, v18;
	v58 =	vld [tilespmem:$0x1FEE0]  }
0x21c: {  	v51 =	vand.u32 $0x7F, v43;
	v49 =	vmov s6;
	v13 =	vand.u32 $0x3000, v13;
	v45 =	vld.idx.msk [tilespmem:v28+s15+$0x0], $0xffff  }
0x21d: {  	v36 =	vshll.u32 v49, $0x7;
	v23 =	vld.idx.msk [tilespmem:v23+s23+$0x0], $0xffff;
	[tilespmem:v56+s26+$0x0] =	vst.idx.msk $0xffff, v20;
	v20 =	vor.u32 v30, v29;
	v29 =	vand.u32 $0x7F, v31  }
0x21e: {  	s6 =	sadd.s32 $0x4, s17;
	v56 =	vshll.u32 v49, $0x8;
	v12 =	vld.idx.msk [tilespmem:v12+s19+$0x0], $0xffff;
	v30 =	vadd.s32 v0, v20;
	v33 =	vadd.s32 v0, v29  }
0x21f: {  	v37 =	vmov s6;
	v14 =	vand.u32 $0x3000, v56;
	v56 =	vld [tilespmem:$0x1FE30];
	v50 =	vand.u32 $0x80, v33  }
0x220: {  	v34 =	vor.u32 v35, v13;
	v33 =	vand.u32 $0x7F, v33;
	v35 =	vadd.s32 v36, v50;
	v50 =	vld [tilespmem:$0x1FCC0]  }
0x221: {  	v38 =	vshll.u32 v37, $0x7;
	v59 =	vor.u32 v58, v13;
	v58 =	vld [tilespmem:$0x1FFE0];
	v33 =	vor.u32 v33, v35;
	[tilespmem:v42+s26+$0x0] =	vst.idx.msk $0xffff, v45  }
0x222: {  	v26 =	vshra.s32 v55, $0x7;
	v55 =	vor.u32 v53, v9;
	v24 =	vor.u32 v38, v51;
	v15 =	vld.idx.msk [tilespmem:v15+s19+$0x0], $0xffff  }
0x223: {  	v35 =	vadd.s32 v0, v24;
	v30 =	vld.idx.msk [tilespmem:v30+s19+$0x0], $0xffff  }
0x224: {  	v46 =	vadd.s32 v0, v26;
	[tilespmem:v61+s26+$0x0] =	vst.idx.msk $0xffff, v12;
	v61 =	vld [tilespmem:$0x1FE40]  }
0x225: {  	v10 =	vld.idx.msk [tilespmem:v10+s15+$0x0], $0xffff  }
0x226: {  	v22 =	vadd.s32 v7, v22;
	v33 =	vld.idx.msk [tilespmem:v33+s19+$0x0], $0xffff  }
0x227: {  	v16 =	vadd.s32 v7, v16;
	v39 =	vor.u32 v44, v14;
	[tilespmem:v55+s26+$0x0] =	vst.idx.msk $0xffff, v15;
	v55 =	vld [tilespmem:$0x1FCB0]  }
0x228: {  	v19 =	vadd.s32 v7, v19;
	v38 =	vand.u32 $0x1FFFF, v32;
	v31 =	vshra.s32 v31, $0x7;
	v49 =	vld.idx.msk [tilespmem:v35+s19+$0x0], $0xffff;
	[tilespmem:v34+s26+$0x0] =	vst.idx.msk $0xffff, v30  }
0x229: {  	v41 =	vor.u32 v41, v13;
	v45 =	vshll.u32 v37, $0x8;
	v28 =	vld.idx.msk [tilespmem:v46+s15+$0x0], $0xffff;
	v46 =	vadd.s32 v0, v31  }
0x22a: {  	v57 =	vadd.s32 v0, v38;
	v18 =	vshra.s32 v43, $0x7;
	v12 =	vand.u32 $0x3000, v45;
	v15 =	vld.idx.msk [tilespmem:v27+s23+$0x0], $0xffff  }
0x22b: {  	v51 =	vadd.s32 v0, v18;
	v35 =	vor.u32 v50, v12;
	v22 =	vld.idx.msk [tilespmem:v22+s15+$0x0], $0xffff;
	[tilespmem:v40+s26+$0x0] =	vst.idx.msk $0xffff, v10  }
0x22c: {  	v27 =	vor.u32 v61, v8;
	v16 =	vld.idx.msk [tilespmem:v16+s15+$0x0], $0xffff;
	[tilespmem:v39+s26+$0x0] =	vst.idx.msk $0xffff, v33;
	v8 =	vor.u32 v55, v8  }
0x22d: {  	v29 =	vadd.s32 v7, v29;
	v44 =	vadd.s32 v7, v25;
	v34 =	vand.u32 $0x1FFFF, v23;
	[tilespmem:$0x1FC50] =	vst v8;
	v8 =	vld [tilespmem:$0x1FCD0]  }
0x22e: {  	s6 =	sadd.s32 $0x45, s5;
	v42 =	vadd.s32 v0, v34;
	[tilespmem:v59+s26+$0x0] =	vst.idx.msk $0xffff, v28;
	v28 =	vor.u32 v56, v9;
	v37 =	vld.idx.msk [tilespmem:v46+s15+$0x0], $0xffff  }
0x22f: {  	v40 =	vadd.s32 v7, v11;
	v39 =	vor.u32 v58, v14;
	v30 =	vld.idx.msk [tilespmem:v57+s15+$0x0], $0xffff;
	v57 =	vmov s6;
	s6 =	sadd.s32 $0x46, s5  }
0x230: {  	v53 =	vld [tilespmem:$0x1FF00];
	[tilespmem:v35+s26+$0x0] =	vst.idx.msk $0xffff, v49;
	v35 =	vand.u32 $0x1FFFF, v15;
	v33 =	vand.u32 $0xFFFFFFF5, v57;
	v46 =	vmov s6  }
0x231: {  	v58 =	vld [tilespmem:$0x1FCE0];
	v45 =	vadd.s32 v0, v35;
	[tilespmem:v27+s26+$0x0] =	vst.idx.msk $0xffff, v16;
	v33 =	vbroadcast v33, $0x0;
	v49 =	vand.u32 $0xFFFFFFF6, v46  }
0x232: {  	v17 =	vld.idx.msk [tilespmem:v51+s15+$0x0], $0xffff;
	v46 =	vand.u32 $0x80, v29;
	v29 =	vand.u32 $0x7F, v29;
	v59 =	vor.u32 v8, v12;
	v8 =	vmovc v6;
	v6 =	vmovc v5  }
0x233: {  	v5 =	vmovc v4;
	v4 =	vmov v63;
	v63 =	vmov v62;
	v62 =	vld [tilespmem:$0x1FE70];
	v11 =	vadd.s32 v36, v46;
	[tilespmem:v28+s26+$0x0] =	vst.idx.msk $0xffff, v22  }
0x234: {  	v28 =	vshra.s32 v32, $0x11;
	[tilespmem:v39+s26+$0x0] =	vst.idx.msk $0xffff, v37;
	v29 =	vor.u32 v29, v11;
	v11 =	vld.idx.msk [tilespmem:v19+s15+$0x0], $0xffff  }
0x235: {  	v32 =	vbroadcast v49, $0x0;
	v50 =	vadd.s32 v0, v28;
	v51 =	vld.idx.msk [tilespmem:v42+s15+$0x0], $0xffff  }
0x236: {  	v10 =	vld.idx.msk [tilespmem:v44+s15+$0x0], $0xffff  }
0x237: {  	[tilespmem:v59+s26+$0x0] =	vst.idx.msk $0xffff, v17;
	v21 =	vld.idx.msk [tilespmem:v33+s22+$0x0], $0xffff  }
0x238: {  	v37 =	vor.u32 v53, v14;
	v57 =	vld.idx.msk [tilespmem:v45+s15+$0x0], $0xffff  }
0x239: {  	v23 =	vshra.s32 v23, $0x11;
	[tilespmem:v41+s26+$0x0] =	vst.idx.msk $0xffff, v30;
	v45 =	vld [tilespmem:$0x1FEA0]  }
0x23a: {  	v56 =	vadd.s32 v0, v23;
	v22 =	vor.u32 v62, v9;
	v43 =	vld.idx.msk [tilespmem:v50+s15+$0x0], $0xffff  }
0x23b: {  	v25 =	vor.u32 v58, v12;
	v17 =	vshra.s32 v15, $0x11;
	v30 =	vld.idx.msk [tilespmem:v32+s22+$0x0], $0xffff  }
0x23c: {  	v41 =	vor.u32 v52, v13;
	v59 =	vadd.s32 v0, v17;
	v50 =	vld [tilespmem:$0x1FFF0]  }
0x23d: {  	v20 =	vadd.s32 v7, v20;
	[tilespmem:v37+s26+$0x0] =	vst.idx.msk $0xffff, v51;
	v51 =	vld [tilespmem:$0x1FCF0]  }
0x23e: {  	v32 =	vld.idx.msk [tilespmem:v32+s23+$0x0], $0xffff  }
0x23f: {  	v49 =	vld.idx.msk [tilespmem:v56+s15+$0x0], $0xffff;
	[tilespmem:v22+s26+$0x0] =	vst.idx.msk $0xffff, v10  }
0x240: {  	s6 =	sadd.s32 $0x5, s17;
	v9 =	vor.u32 v54, v9;
	v39 =	vand.u32 $0x7F, v21;
	[tilespmem:v25+s26+$0x0] =	vst.idx.msk $0xffff, v57;
	v10 =	vld.idx.msk [tilespmem:v40+s15+$0x0], $0xffff  }
0x241: {  	v53 =	vmov s6;
	v44 =	vor.u32 v45, v13;
	v45 =	vadd.s32 v0, v39;
	v54 =	vld.idx.msk [tilespmem:v59+s15+$0x0], $0xffff;
	[tilespmem:v41+s26+$0x0] =	vst.idx.msk $0xffff, v43  }
0x242: {  	v42 =	vshll.u32 v53, $0x7;
	v56 =	vand.u32 $0x80, v45;
	v20 =	vld.idx.msk [tilespmem:v20+s19+$0x0], $0xffff  }
0x243: {  	v37 =	vor.u32 v50, v14;
	v50 =	vshll.u32 v53, $0x8;
	v58 =	vadd.s32 v42, v56;
	v56 =	vld [tilespmem:$0x1FD90]  }
0x244: {  	s6 =	sadd.s32 $0x6, s17;
	v52 =	vor.u32 v51, v12;
	v57 =	vand.u32 $0x7F, v45;
	v16 =	vand.u32 $0x3000, v50;
	v50 =	vld [tilespmem:$0x1FF40]  }
0x245: {  	v59 =	vmov s6;
	s6 =	sadd.s32 $0x47, s5;
	v19 =	vor.u32 v57, v58;
	v57 =	vld [tilespmem:$0x1FED0]  }
0x246: {  	v24 =	vadd.s32 v7, v24;
	v51 =	vmov s6;
	v58 =	vld [tilespmem:$0x1FD00]  }
0x247: {  	v53 =	vand.u32 $0xFFFFFFF7, v51;
	v51 =	vld [tilespmem:$0x1FD10]  }
0x248: {  	[tilespmem:v37+s26+$0x0] =	vst.idx.msk $0xffff, v49;
	v49 =	vld [tilespmem:$0x1FF20]  }
0x249: {  	v26 =	vadd.s32 v7, v26;
	v45 =	vand.u32 $0x7F, v30;
	v46 =	vshll.u32 v59, $0x7;
	[tilespmem:v52+s26+$0x0] =	vst.idx.msk $0xffff, v54;
	v52 =	vld [tilespmem:$0x1FD20]  }
0x24a: {  	v36 =	vor.u32 v46, v45;
	v29 =	vld.idx.msk [tilespmem:v29+s19+$0x0], $0xffff  }
0x24b: {  	v37 =	vor.u32 v48, v13;
	v48 =	vadd.s32 v0, v36;
	v24 =	vld.idx.msk [tilespmem:v24+s19+$0x0], $0xffff  }
0x24c: {  	[tilespmem:v44+s26+$0x0] =	vst.idx.msk $0xffff, v20;
	v20 =	vld.idx.msk [tilespmem:v33+s23+$0x0], $0xffff  }
0x24d: {  	v18 =	vadd.s32 v7, v18;
	v19 =	vld.idx.msk [tilespmem:v19+s19+$0x0], $0xffff;
	v44 =	vor.u32 v58, v12  }
0x24e: {  	v22 =	vadd.s32 v7, v38;
	v41 =	vor.u32 v47, v13;
	v27 =	vshll.u32 v59, $0x8;
	v26 =	vld.idx.msk [tilespmem:v26+s15+$0x0], $0xffff  }
0x24f: {  	v15 =	vand.u32 $0x3000, v27;
	v43 =	vbroadcast v53, $0x0;
	v13 =	vor.u32 v57, v13;
	v57 =	vld [tilespmem:$0x1FDA0]  }
0x250: {  	v27 =	vshra.s32 v30, $0x7;
	v38 =	vor.u32 v56, v15;
	v30 =	vld.idx.msk [tilespmem:v48+s19+$0x0], $0xffff  }
0x251: {  	v25 =	vor.u32 v52, v16;
	v52 =	vld [tilespmem:$0x1FD30]  }
0x252: {  	v21 =	vshra.s32 v21, $0x7;
	v59 =	vadd.s32 v0, v27;
	v40 =	vor.u32 v49, v14;
	v49 =	vld [tilespmem:$0x1FF30];
	[tilespmem:v44+s26+$0x0] =	vst.idx.msk $0xffff, v24  }
0x253: {  	v54 =	vadd.s32 v0, v21;
	[tilespmem:v41+s26+$0x0] =	vst.idx.msk $0xffff, v26;
	v18 =	vld.idx.msk [tilespmem:v18+s15+$0x0], $0xffff  }
0x254: {  	v31 =	vadd.s32 v7, v31;
	v45 =	vld.idx.msk [tilespmem:v22+s15+$0x0], $0xffff  }
0x255: {  	[tilespmem:v38+s26+$0x0] =	vst.idx.msk $0xffff, v30;
	v30 =	vld.idx.msk [tilespmem:v43+s22+$0x0], $0xffff  }
0x256: {  	[tilespmem:v25+s26+$0x0] =	vst.idx.msk $0xffff, v19;
	v19 =	vor.u32 v51, v12;
	v53 =	vor.u32 v52, v16;
	v52 =	vld [tilespmem:$0x1FD40]  }
0x257: {  	v38 =	vor.u32 v57, v15;
	v56 =	vld.idx.msk [tilespmem:v59+s15+$0x0], $0xffff  }
0x258: {  	v35 =	vadd.s32 v7, v35;
	s6 =	sadd.s32 $0x48, s5;
	v46 =	vand.u32 $0x1FFFF, v20;
	[tilespmem:v40+s26+$0x0] =	vst.idx.msk $0xffff, v29;
	v33 =	vld.idx.msk [tilespmem:v54+s15+$0x0], $0xffff  }
0x259: {  	v58 =	vmov s6;
	v29 =	vor.u32 v49, v14;
	v31 =	vld.idx.msk [tilespmem:v31+s15+$0x0], $0xffff;
	v54 =	vadd.s32 v0, v46  }
0x25a: {  	v34 =	vadd.s32 v7, v34;
	v25 =	vand.u32 $0x1FFFF, v32;
	v49 =	vand.u32 $0xFFFFFFF8, v58;
	v58 =	vld [tilespmem:$0x1FF60];
	[tilespmem:v37+s26+$0x0] =	vst.idx.msk $0xffff, v45  }
0x25b: {  	v59 =	vadd.s32 v0, v25;
	v37 =	vld.idx.msk [tilespmem:v43+s23+$0x0], $0xffff;
	[tilespmem:v19+s26+$0x0] =	vst.idx.msk $0xffff, v18  }
0x25c: {  	s6 =	sadd.s32 $0x49, s5;
	[tilespmem:v38+s26+$0x0] =	vst.idx.msk $0xffff, v56;
	v56 =	vld [tilespmem:$0x1FDB0]  }
0x25d: {  	v26 =	vshra.s32 v32, $0x11;
	v40 =	vor.u32 v50, v14;
	v50 =	vmov s6;
	s6 =	sadd.s32 $0x7, s17;
	[tilespmem:v53+s26+$0x0] =	vst.idx.msk $0xffff, v33;
	v35 =	vld.idx.msk [tilespmem:v35+s15+$0x0], $0xffff  }
0x25e: {  	v22 =	vshra.s32 v20, $0x11;
	v51 =	vand.u32 $0xFFFFFFF9, v50;
	v24 =	vmov s6;
	[tilespmem:v29+s26+$0x0] =	vst.idx.msk $0xffff, v31;
	v20 =	vld.idx.msk [tilespmem:v54+s15+$0x0], $0xffff  }
0x25f: {  	v41 =	vshll.u32 v24, $0x7;
	v47 =	vand.u32 $0x7F, v30;
	v29 =	vbroadcast v49, $0x0;
	v34 =	vld.idx.msk [tilespmem:v34+s15+$0x0], $0xffff  }
0x260: {  	v33 =	vbroadcast v51, $0x0;
	v49 =	vor.u32 v58, v12;
	v58 =	vshll.u32 v24, $0x8;
	v18 =	vld.idx.msk [tilespmem:v59+s15+$0x0], $0xffff  }
0x261: {  	v53 =	vor.u32 v52, v16;
	v54 =	vadd.s32 v0, v47;
	v24 =	vand.u32 $0x3000, v58;
	v58 =	vld [tilespmem:$0x1FC60]  }
0x262: {  	v31 =	vadd.s32 v0, v22;
	v57 =	vand.u32 $0x80, v54;
	v32 =	vand.u32 $0x7F, v54;
	v54 =	vld [tilespmem:$0x1FD50]  }
0x263: {  	v38 =	vadd.s32 v41, v57;
	v57 =	vld [tilespmem:$0x1FDC0]  }
0x264: {  	v28 =	vadd.s32 v7, v28;
	v39 =	vadd.s32 v7, v39;
	v19 =	vor.u32 v56, v15;
	v56 =	vld [tilespmem:$0x1FD60]  }
0x265: {  	v59 =	vand.u32 $0x80, v39;
	v32 =	vor.u32 v32, v38;
	[tilespmem:v49+s26+$0x0] =	vst.idx.msk $0xffff, v35;
	v49 =	vld [tilespmem:$0x1FF50]  }
0x266: {  	[tilespmem:v53+s26+$0x0] =	vst.idx.msk $0xffff, v20;
	v53 =	vadd.s32 v42, v59;
	v42 =	vld.idx.msk [tilespmem:v33+s22+$0x0], $0xffff  }
0x267: {  	v23 =	vadd.s32 v7, v23;
	v31 =	vld.idx.msk [tilespmem:v31+s15+$0x0], $0xffff;
	v44 =	vor.u32 v54, v16  }
0x268: {  	v48 =	vadd.s32 v0, v26;
	v52 =	vand.u32 $0x7F, v39;
	v38 =	vld.idx.msk [tilespmem:v29+s22+$0x0], $0xffff  }
0x269: {  	s6 =	sadd.s32 $0x8, s17;
	v30 =	vshra.s32 v30, $0x7;
	v20 =	vld.idx.msk [tilespmem:v28+s15+$0x0], $0xffff;
	v39 =	vor.u32 v52, v53  }
0x26a: {  	[tilespmem:v40+s26+$0x0] =	vst.idx.msk $0xffff, v34;
	v52 =	vadd.s32 v0, v30;
	v53 =	vor.u32 v58, v24;
	v54 =	vmov s6;
	v32 =	vld.idx.msk [tilespmem:v32+s19+$0x0], $0xffff  }
0x26b: {  	v29 =	vld.idx.msk [tilespmem:v29+s23+$0x0], $0xffff;
	s6 =	sadd.s32 $0x9, s17;
	v51 =	vor.u32 v57, v15;
	v45 =	vshll.u32 v54, $0x7;
	[tilespmem:v19+s26+$0x0] =	vst.idx.msk $0xffff, v18;
	v43 =	vand.u32 $0x7F, v42  }
0x26c: {  	v50 =	vor.u32 v56, v16;
	v18 =	vld.idx.msk [tilespmem:v23+s15+$0x0], $0xffff;
	[tilespmem:v44+s26+$0x0] =	vst.idx.msk $0xffff, v31;
	v31 =	vmov s6;
	v56 =	vadd.s32 v0, v43  }
0x26d: {  	v48 =	vld.idx.msk [tilespmem:v48+s15+$0x0], $0xffff;
	v59 =	vand.u32 $0x7F, v38;
	v57 =	vand.u32 $0x80, v56;
	v44 =	vshll.u32 v31, $0x7  }
0x26e: {  	v28 =	vor.u32 v45, v59;
	v45 =	vadd.s32 v44, v57;
	v57 =	vld [tilespmem:$0x1FC70]  }
0x26f: {  	v34 =	vld.idx.msk [tilespmem:v39+s19+$0x0], $0xffff;
	[tilespmem:v53+s26+$0x0] =	vst.idx.msk $0xffff, v32  }
0x270: {  	v36 =	vadd.s32 v7, v36;
	v40 =	vld.idx.msk [tilespmem:v52+s15+$0x0], $0xffff  }
0x271: {  	v39 =	vadd.s32 v0, v28;
	v59 =	vand.u32 $0x7F, v56;
	v52 =	vld [tilespmem:$0x1FF70]  }
0x272: {  	v53 =	vor.u32 v59, v45;
	v59 =	vshll.u32 v31, $0x8;
	[tilespmem:v51+s26+$0x0] =	vst.idx.msk $0xffff, v48;
	v51 =	vld [tilespmem:$0x1FFC0]  }
0x273: {  	v35 =	vand.u32 $0x1FFFF, v37;
	v23 =	vand.u32 $0x3800, v59;
	v59 =	vld [tilespmem:$0x1FFD0];
	v45 =	vor.u32 v57, v24  }
0x274: {  	v56 =	vadd.s32 v0, v35;
	[tilespmem:v50+s26+$0x0] =	vst.idx.msk $0xffff, v34;
	v50 =	vld [tilespmem:$0x1FDD0]  }
0x275: {  	v19 =	vor.u32 v49, v14;
	v36 =	vld.idx.msk [tilespmem:v36+s19+$0x0], $0xffff  }
0x276: {  	v14 =	vshll.u32 v54, $0x8;
	v42 =	vshra.s32 v42, $0x7;
	v34 =	vshra.s32 v38, $0x7;
	v38 =	vld.idx.msk [tilespmem:v39+s19+$0x0], $0xffff  }
0x277: {  	v48 =	vadd.s32 v7, v21;
	v39 =	vor.u32 v0, v14;
	v32 =	vld.idx.msk [tilespmem:v53+s19+$0x0], $0xffff;
	v51 =	vor.u32 v51, v23  }
0x278: {  	v21 =	vor.u32 v52, v12;
	v12 =	vld.idx.msk [tilespmem:v33+s23+$0x0], $0xffff;
	v33 =	vadd.s32 v0, v42;
	[tilespmem:v45+s26+$0x0] =	vst.idx.msk $0xffff, v40  }
0x279: {  	v31 =	vor.u32 v50, v15;
	v50 =	vadd.s32 v0, v34;
	v45 =	vld.idx.msk [tilespmem:v56+s15+$0x0], $0xffff  }
0x27a: {  	v17 =	vadd.s32 v7, v17;
	v56 =	vld [tilespmem:$0x1FC80]  }
0x27b: {  	v53 =	vld [tilespmem:$0x1FD70]  }
0x27c: {  	v54 =	vld [tilespmem:$0x1FC90];
	[tilespmem:v51+s26+$0x0] =	vst.idx.msk $0xffff, v32  }
0x27d: {  	v27 =	vadd.s32 v7, v27;
	[tilespmem:v39+s26+$0x0] =	vst.idx.msk $0xffff, v38;
	v51 =	vor.u32 v59, v23;
	v33 =	vld.idx.msk [tilespmem:v33+s15+$0x0], $0xffff  }
0x27e: {  	v38 =	vor.u32 v60, v14;
	[tilespmem:v31+s26+$0x0] =	vst.idx.msk $0xffff, v36;
	v36 =	vld.idx.msk [tilespmem:v50+s15+$0x0], $0xffff  }
0x27f: {  	v37 =	vshra.s32 v37, $0x11;
	v17 =	vld.idx.msk [tilespmem:v17+s15+$0x0], $0xffff;
	v49 =	vor.u32 v56, v24  }
0x280: {  	v52 =	vadd.s32 v0, v37;
	v48 =	vld.idx.msk [tilespmem:v48+s15+$0x0], $0xffff;
	v40 =	vor.u32 v53, v16  }
0x281: {  	v39 =	vor.u32 v54, v15;
	v54 =	vld [tilespmem:$0x1FDF0];
	v31 =	vand.u32 $0x1FFFF, v29  }
0x282: {  	v46 =	vadd.s32 v7, v46;
	s6 =	sadd.s32 $0x4A, s5;
	v27 =	vld.idx.msk [tilespmem:v27+s15+$0x0], $0xffff;
	v50 =	vadd.s32 v0, v31;
	[tilespmem:v51+s26+$0x0] =	vst.idx.msk $0xffff, v33  }
0x283: {  	v25 =	vadd.s32 v7, v25;
	v60 =	vmov s6;
	v53 =	vld [tilespmem:$0x1FF80];
	v32 =	vand.u32 $0x1FFFF, v12;
	[tilespmem:v38+s26+$0x0] =	vst.idx.msk $0xffff, v36  }
0x284: {  	v59 =	vand.u32 $0xFFFFFFFA, v60;
	v51 =	vld [tilespmem:$0x1FE00];
	v38 =	vshra.s32 v29, $0x11;
	[tilespmem:v49+s26+$0x0] =	vst.idx.msk $0xffff, v45;
	v45 =	vadd.s32 v7, v47  }
0x285: {  	[tilespmem:v40+s26+$0x0] =	vst.idx.msk $0xffff, v48;
	v47 =	vadd.s32 v0, v32;
	v49 =	vbroadcast v59, $0x0;
	v40 =	vld.idx.msk [tilespmem:v52+s15+$0x0], $0xffff;
	v60 =	vand.u32 $0x80, v45  }
0x286: {  	v52 =	vor.u32 v63, v24;
	v45 =	vand.u32 $0x7F, v45;
	v41 =	vadd.s32 v41, v60;
	v60 =	vld [tilespmem:$0x1FD80]  }
0x287: {  	v29 =	vld.idx.msk [tilespmem:v50+s15+$0x0], $0xffff;
	[tilespmem:v39+s26+$0x0] =	vst.idx.msk $0xffff, v27;
	v36 =	vor.u32 v45, v41;
	v41 =	vor.u32 v54, v14  }
0x288: {  	v39 =	vadd.s32 v7, v22;
	v22 =	vor.u32 v53, v16;
	v53 =	vld [tilespmem:$0x1FE10];
	v59 =	vadd.s32 v0, v38  }
0x289: {  	v45 =	vld.idx.msk [tilespmem:v46+s15+$0x0], $0xffff  }
0x28a: {  	v33 =	vshra.s32 v12, $0x11;
	v27 =	vor.u32 v51, v23;
	v12 =	vld.idx.msk [tilespmem:v47+s15+$0x0], $0xffff  }
0x28b: {  	[tilespmem:v52+s26+$0x0] =	vst.idx.msk $0xffff, v40;
	v46 =	vor.u32 v60, v16;
	v16 =	vld.idx.msk [tilespmem:v25+s15+$0x0], $0xffff;
	v25 =	vadd.s32 v0, v33  }
0x28c: {  	v40 =	vld.idx.msk [tilespmem:v49+s22+$0x0], $0xffff;
	[tilespmem:v41+s26+$0x0] =	vst.idx.msk $0xffff, v29  }
0x28d: {  	v54 =	vadd.s32 v7, v43;
	v47 =	vor.u32 v4, v15;
	v29 =	vadd.s32 v7, v30;
	v30 =	vld.idx.msk [tilespmem:v59+s15+$0x0], $0xffff  }
0x28e: {  	v43 =	vand.u32 $0x80, v54;
	v59 =	vld [tilespmem:$0x1FE20]  }
0x28f: {  	s6 =	sadd.s32 $0xA, s17;
	v51 =	vor.u32 v5, v24;
	v48 =	vand.u32 $0x7F, v54;
	v52 =	vadd.s32 v44, v43;
	[tilespmem:v27+s26+$0x0] =	vst.idx.msk $0xffff, v12  }
0x290: {  	v43 =	vor.u32 v53, v23;
	v44 =	vmov s6;
	s6 =	sadd.s32 $0x4B, s5;
	v12 =	vor.u32 v48, v52;
	v25 =	vld.idx.msk [tilespmem:v25+s15+$0x0], $0xffff  }
0x291: {  	v36 =	vld.idx.msk [tilespmem:v36+s19+$0x0], $0xffff;
	v48 =	vshll.u32 v44, $0x7;
	v52 =	vmov s6;
	v54 =	vand.u32 $0x7F, v40  }
0x292: {  	v53 =	vand.u32 $0xFFFFFFFB, v52;
	[tilespmem:v47+s26+$0x0] =	vst.idx.msk $0xffff, v16;
	v16 =	vor.u32 v48, v54;
	v48 =	vld [tilespmem:$0x1FFB0]  }
0x293: {  	[tilespmem:v46+s26+$0x0] =	vst.idx.msk $0xffff, v45;
	v45 =	vbroadcast v53, $0x0;
	v53 =	vld [tilespmem:$0x1FE60];
	v41 =	vor.u32 v59, v14  }
0x294: {  	v28 =	vadd.s32 v7, v28;
	v27 =	vld.idx.msk [tilespmem:v39+s15+$0x0], $0xffff  }
0x295: {  	[tilespmem:v43+s26+$0x0] =	vst.idx.msk $0xffff, v25;
	v43 =	vld [tilespmem:$0x1FFA0]  }
0x296: {  	[tilespmem:v51+s26+$0x0] =	vst.idx.msk $0xffff, v36;
	v51 =	vld [tilespmem:$0x1FE50]  }
0x297: {  	v50 =	vadd.s32 v7, v26;
	v59 =	vld [tilespmem:$0x1FF90]  }
0x298: {  	v46 =	vld.idx.msk [tilespmem:v29+s15+$0x0], $0xffff;
	[tilespmem:v41+s26+$0x0] =	vst.idx.msk $0xffff, v30  }
0x299: {  	v35 =	vadd.s32 v7, v35;
	v36 =	vor.u32 v6, v24;
	v28 =	vld.idx.msk [tilespmem:v28+s19+$0x0], $0xffff  }
0x29a: {  	v47 =	vor.u32 v8, v24;
	v29 =	vor.u32 v43, v24;
	v24 =	vadd.s32 v7, v34;
	v34 =	vld.idx.msk [tilespmem:v12+s19+$0x0], $0xffff  }
0x29b: {  	v54 =	vor.u32 v7, v14;
	v39 =	vadd.s32 v0, v16;
	v43 =	vld.idx.msk [tilespmem:v49+s23+$0x0], $0xffff  }
0x29c: {  	[tilespmem:v9+s26+$0x0] =	vst.idx.msk $0xffff, v10;
	v49 =	vld.idx.msk [tilespmem:v50+s15+$0x0], $0xffff  }
0x29d: {  	v37 =	vadd.s32 v7, v37;
	v42 =	vadd.s32 v7, v42;
	v41 =	vor.u32 v51, v23;
	v50 =	vld [tilespmem:$0x1FE30]  }
0x29e: {  	v31 =	vadd.s32 v7, v31;
	v25 =	vor.u32 v48, v14;
	v48 =	vld.idx.msk [tilespmem:v45+s22+$0x0], $0xffff;
	[tilespmem:v36+s26+$0x0] =	vst.idx.msk $0xffff, v46  }
0x29f: {  	s6 =	sadd.s32 $0x4C, s5;
	v52 =	vshll.u32 v44, $0x8;
	v44 =	vor.u32 v61, v14;
	v26 =	vor.u32 v59, v15;
	v35 =	vld.idx.msk [tilespmem:v35+s15+$0x0], $0xffff  }
0x2a0: {  	v39 =	vld.idx.msk [tilespmem:v39+s19+$0x0], $0xffff;
	v15 =	vshra.s32 v40, $0x7;
	v12 =	vand.u32 $0x3800, v52;
	[tilespmem:v54+s26+$0x0] =	vst.idx.msk $0xffff, v28;
	v54 =	vmov s6  }
0x2a1: {  	v30 =	vor.u32 v55, v14;
	v40 =	vor.u32 v53, v12;
	s6 =	sadd.s32 $0x4D, s5;
	v14 =	vand.u32 $0xFFFFFFFC, v54;
	v55 =	vld.idx.msk [tilespmem:v24+s15+$0x0], $0xffff  }
0x2a2: {  	v52 =	vld [tilespmem:$0x1FEE0];
	v51 =	vmov s6;
	v46 =	vor.u32 v50, v23;
	[tilespmem:v41+s26+$0x0] =	vst.idx.msk $0xffff, v34;
	v34 =	vbroadcast v14, $0x0  }
0x2a3: {  	v24 =	vand.u32 $0xFFFFFFFD, v51;
	v41 =	vld.idx.msk [tilespmem:v42+s15+$0x0], $0xffff;
	v42 =	vor.u32 v62, v23;
	v62 =	vmovc v63;
	v63 =	vmov v4  }
0x2a4: {  	[tilespmem:v47+s26+$0x0] =	vst.idx.msk $0xffff, v35;
	v4 =	vmovc v5;
	v5 =	vmovc v6;
	v6 =	vmov v8;
	v50 =	vbroadcast v24, $0x0;
	v24 =	vand.u32 $0x7F, v48;
	v8 =	vld [tilespmem:$0x1FC50]  }
0x2a5: {  	[tilespmem:v21+s26+$0x0] =	vst.idx.msk $0xffff, v17;
	v17 =	vld.idx.msk [tilespmem:v37+s15+$0x0], $0xffff;
	v53 =	vadd.s32 v0, v24  }
0x2a6: {  	s6 =	sadd.s32 $0xB, s17;
	v54 =	vand.u32 $0x80, v53;
	v61 =	vand.u32 $0x7F, v53;
	v53 =	vld [tilespmem:$0x1FEF0];
	[tilespmem:v25+s26+$0x0] =	vst.idx.msk $0xffff, v55  }
0x2a7: {  	v28 =	vadd.s32 v0, v15;
	[tilespmem:v40+s26+$0x0] =	vst.idx.msk $0xffff, v39;
	v39 =	vmov s6;
	v10 =	vld.idx.msk [tilespmem:v31+s15+$0x0], $0xffff  }
0x2a8: {  	v25 =	vshll.u32 v39, $0x7;
	v31 =	vld.idx.msk [tilespmem:v34+s22+$0x0], $0xffff  }
0x2a9: {  	v32 =	vadd.s32 v7, v32;
	v36 =	vadd.s32 v25, v54;
	v54 =	vld [tilespmem:$0x1FE80]  }
0x2aa: {  	[tilespmem:v22+s26+$0x0] =	vst.idx.msk $0xffff, v27;
	v22 =	vld.idx.msk [tilespmem:v34+s23+$0x0], $0xffff  }
0x2ab: {  	[tilespmem:v13+s26+$0x0] =	vst.idx.msk $0xffff, v20;
	v14 =	vand.u32 $0x1FFFF, v43;
	v9 =	vshra.s32 v43, $0x11;
	s6 =	sadd.s32 $0x4E, s5;
	v43 =	vld.idx.msk [tilespmem:v50+s22+$0x0], $0xffff  }
0x2ac: {  	v55 =	vmov s6;
	v13 =	vor.u32 v61, v36;
	[tilespmem:v8+s26+$0x0] =	vst.idx.msk $0xffff, v11;
	v8 =	vld.idx.msk [tilespmem:v28+s15+$0x0], $0xffff;
	v11 =	vor.u32 v52, v12  }
0x2ad: {  	v51 =	vadd.s32 v0, v14;
	[tilespmem:v46+s26+$0x0] =	vst.idx.msk $0xffff, v41;
	v52 =	vand.u32 $0xFFFFFFFE, v55;
	v55 =	vld [tilespmem:$0x1FF10]  }
0x2ae: {  	v38 =	vadd.s32 v7, v38;
	v32 =	vld.idx.msk [tilespmem:v32+s15+$0x0], $0xffff  }
0x2af: {  	v33 =	vadd.s32 v7, v33;
	v61 =	vld [tilespmem:$0x1FFE0];
	v36 =	vbroadcast v52, $0x0  }
0x2b0: {  	[tilespmem:v19+s26+$0x0] =	vst.idx.msk $0xffff, v18;
	v39 =	vshll.u32 v39, $0x8;
	s6 =	sadd.s32 $0x4F, s5;
	v28 =	vld.idx.msk [tilespmem:v45+s23+$0x0], $0xffff  }
0x2b1: {  	v13 =	vld.idx.msk [tilespmem:v13+s19+$0x0], $0xffff;
	[tilespmem:v11+s26+$0x0] =	vst.idx.msk $0xffff, v8;
	v8 =	vand.u32 $0x3800, v39;
	v39 =	vmov s6  }
0x2b2: {  	v20 =	vshra.s32 v48, $0x7;
	s5 =	sadd.s32 $0xC, s17;
	[tilespmem:v44+s26+$0x0] =	vst.idx.msk $0xffff, v10;
	v46 =	vld.idx.msk [tilespmem:v51+s15+$0x0], $0xffff;
	v51 =	vor.u32 v55, v8  }
0x2b3: {  	v40 =	vadd.s32 v0, v9;
	v19 =	vmov s5;
	v41 =	vor.u32 v54, v12;
	[tilespmem:v42+s26+$0x0] =	vst.idx.msk $0xffff, v32;
	v32 =	vld.idx.msk [tilespmem:v38+s15+$0x0], $0xffff  }
0x2b4: {  	v23 =	vor.u32 v53, v23;
	v45 =	vadd.s32 v0, v20;
	v53 =	vand.u32 $0x7F, v31;
	v33 =	vld.idx.msk [tilespmem:v33+s15+$0x0], $0xffff  }
0x2b5: {  	v47 =	vand.u32 $0x7F, v43;
	s6 =	sadd.s32 $0xD, s17;
	v52 =	vor.u32 v61, v8;
	v61 =	vshll.u32 v19, $0x7;
	v54 =	vld.idx.msk [tilespmem:v36+s22+$0x0], $0xffff  }
0x2b6: {  	v21 =	vadd.s32 v0, v47;
	v37 =	vmov s6;
	v35 =	vor.u32 v61, v53;
	v55 =	vld.idx.msk [tilespmem:v39+s22+$0x0], $0xffff  }
0x2b7: {  	v61 =	vand.u32 $0x80, v21;
	v53 =	vshll.u32 v37, $0x7;
	v44 =	vadd.s32 v0, v35;
	v39 =	vld.idx.msk [tilespmem:v39+s23+$0x0], $0xffff;
	[tilespmem:v51+s26+$0x0] =	vst.idx.msk $0xffff, v13  }
0x2b8: {  	v19 =	vshll.u32 v19, $0x8;
	v21 =	vand.u32 $0x7F, v21;
	v42 =	vadd.s32 v53, v61;
	[tilespmem:v41+s26+$0x0] =	vst.idx.msk $0xffff, v46;
	v46 =	vld [tilespmem:$0x1FCC0]  }
0x2b9: {  	s5 =	sadd.s32 $0xE, s17;
	v10 =	vand.u32 $0x3800, v19;
	v19 =	vor.u32 v21, v42;
	v41 =	vld.idx.msk [tilespmem:v45+s15+$0x0], $0xffff  }
0x2ba: {  	v38 =	vmov s5;
	v40 =	vld.idx.msk [tilespmem:v40+s15+$0x0], $0xffff  }
0x2bb: {  	v11 =	vand.u32 $0x1FFFF, v28;
	[tilespmem:v30+s26+$0x0] =	vst.idx.msk $0xffff, v32;
	v51 =	vand.u32 $0x7F, v54;
	v32 =	vshra.s32 v54, $0x7;
	v54 =	vld [tilespmem:$0x1FFB0]  }
0x2bc: {  	[tilespmem:v26+s26+$0x0] =	vst.idx.msk $0xffff, v49;
	v48 =	vadd.s32 v0, v11;
	v61 =	vshll.u32 v38, $0x7;
	v26 =	vld.idx.msk [tilespmem:v44+s19+$0x0], $0xffff  }
0x2bd: {  	v21 =	vshra.s32 v43, $0x7;
	v42 =	vor.u32 v61, v51;
	v43 =	vor.u32 v46, v10;
	v46 =	vld [tilespmem:$0x1FD20]  }
0x2be: {  	v51 =	vshll.u32 v37, $0x8;
	v27 =	vadd.s32 v0, v42;
	v19 =	vld.idx.msk [tilespmem:v19+s19+$0x0], $0xffff  }
0x2bf: {  	v18 =	vshra.s32 v31, $0x7;
	v13 =	vand.u32 $0x3800, v51;
	v51 =	vld [tilespmem:$0x1FD90]  }
0x2c0: {  	v31 =	vadd.s32 v0, v18;
	s6 =	sadd.s32 $0xF, s17;
	v34 =	vand.u32 $0x7F, v55;
	[tilespmem:v52+s26+$0x0] =	vst.idx.msk $0xffff, v41;
	v52 =	vld [tilespmem:$0x1FE90]  }
0x2c1: {  	v38 =	vshll.u32 v38, $0x8;
	v37 =	vmov s6;
	v61 =	vadd.s32 v0, v34;
	v41 =	vld.idx.msk [tilespmem:v50+s23+$0x0], $0xffff  }
0x2c2: {  	[tilespmem:v29+s26+$0x0] =	vst.idx.msk $0xffff, v17;
	v49 =	vand.u32 $0x80, v61;
	v48 =	vld.idx.msk [tilespmem:v48+s15+$0x0], $0xffff;
	v29 =	vor.u32 v46, v13;
	v46 =	vshll.u32 v37, $0x7  }
0x2c3: {  	v45 =	vadd.s32 v0, v21;
	v44 =	vand.u32 $0x7F, v61;
	v27 =	vld.idx.msk [tilespmem:v27+s19+$0x0], $0xffff;
	v61 =	vadd.s32 v46, v49  }
0x2c4: {  	v17 =	vand.u32 $0x3800, v38;
	v38 =	vor.u32 v44, v61;
	v61 =	vld [tilespmem:$0x1FCD0]  }
0x2c5: {  	v44 =	vor.u32 v51, v17;
	v51 =	vld [tilespmem:$0x1FD30]  }
0x2c6: {  	[tilespmem:v43+s26+$0x0] =	vst.idx.msk $0xffff, v26;
	v26 =	vld.idx.msk [tilespmem:v36+s23+$0x0], $0xffff  }
0x2c7: {  	v50 =	vor.u32 v52, v12;
	v31 =	vld.idx.msk [tilespmem:v31+s15+$0x0], $0xffff;
	[tilespmem:v29+s26+$0x0] =	vst.idx.msk $0xffff, v19  }
0x2c8: {  	v16 =	vadd.s32 v7, v16;
	v30 =	vand.u32 $0x1FFFF, v22;
	v37 =	vshll.u32 v37, $0x8;
	v29 =	vld.idx.msk [tilespmem:v45+s15+$0x0], $0xffff  }
0x2c9: {  	[tilespmem:v23+s26+$0x0] =	vst.idx.msk $0xffff, v33;
	v19 =	vand.u32 $0x3800, v37;
	v45 =	vshra.s32 v55, $0x7;
	v55 =	vld [tilespmem:$0x1FDE0];
	v43 =	vor.u32 v61, v10  }
0x2ca: {  	v36 =	vadd.s32 v0, v32;
	v33 =	vor.u32 v51, v13;
	v51 =	vor.u32 v58, v19;
	v58 =	vld [tilespmem:$0x1FF00]  }
0x2cb: {  	v49 =	vadd.s32 v0, v30;
	v61 =	vld [tilespmem:$0x1FDA0]  }
0x2cc: {  	[tilespmem:v50+s26+$0x0] =	vst.idx.msk $0xffff, v40;
	v38 =	vld.idx.msk [tilespmem:v38+s19+$0x0], $0xffff  }
0x2cd: {  	v23 =	vand.u32 $0x1FFFF, v41;
	[tilespmem:v44+s26+$0x0] =	vst.idx.msk $0xffff, v27;
	v16 =	vld.idx.msk [tilespmem:v16+s19+$0x0], $0xffff  }
0x2ce: {  	v37 =	vadd.s32 v0, v23;
	[tilespmem:v43+s26+$0x0] =	vst.idx.msk $0xffff, v31;
	v43 =	vld [tilespmem:$0x1FCE0]  }
0x2cf: {  	v44 =	vadd.s32 v0, v45;
	v36 =	vld.idx.msk [tilespmem:v36+s15+$0x0], $0xffff;
	v27 =	vor.u32 v58, v8  }
0x2d0: {  	v50 =	vor.u32 v61, v17;
	v61 =	vld.idx.msk [tilespmem:v49+s15+$0x0], $0xffff  }
0x2d1: {  	v40 =	vand.u32 $0x1FFFF, v26;
	[tilespmem:v33+s26+$0x0] =	vst.idx.msk $0xffff, v29;
	v49 =	vld [tilespmem:$0x1FD40]  }
0x2d2: {  	v58 =	vadd.s32 v0, v40;
	[tilespmem:v51+s26+$0x0] =	vst.idx.msk $0xffff, v38;
	v51 =	vld [tilespmem:$0x1FE00]  }
0x2d3: {  	v28 =	vshra.s32 v28, $0x11;
	v37 =	vld.idx.msk [tilespmem:v37+s15+$0x0], $0xffff;
	v33 =	vor.u32 v43, v10  }
0x2d4: {  	[tilespmem:v27+s26+$0x0] =	vst.idx.msk $0xffff, v48;
	v43 =	vld.idx.msk [tilespmem:v44+s15+$0x0], $0xffff;
	v44 =	vor.u32 v57, v19;
	v48 =	vadd.s32 v0, v28  }
0x2d5: {  	v24 =	vadd.s32 v7, v24;
	v27 =	vand.u32 $0x1FFFF, v39;
	v57 =	vld [tilespmem:$0x1FDB0]  }
0x2d6: {  	v41 =	vshra.s32 v41, $0x11;
	[tilespmem:v50+s26+$0x0] =	vst.idx.msk $0xffff, v36;
	v50 =	vld [tilespmem:$0x1FDF0];
	v38 =	vor.u32 v49, v13;
	v36 =	vadd.s32 v0, v27  }
0x2d7: {  	v22 =	vshra.s32 v22, $0x11;
	v29 =	vadd.s32 v0, v41;
	v31 =	vld.idx.msk [tilespmem:v58+s15+$0x0], $0xffff;
	v58 =	vand.u32 $0x80, v24  }
0x2d8: {  	v25 =	vadd.s32 v25, v58;
	v58 =	vld [tilespmem:$0x1FFF0];
	[tilespmem:v33+s26+$0x0] =	vst.idx.msk $0xffff, v61;
	v61 =	vadd.s32 v0, v22  }
0x2d9: {  	[tilespmem:v44+s26+$0x0] =	vst.idx.msk $0xffff, v43;
	v44 =	vld.idx.msk [tilespmem:v48+s15+$0x0], $0xffff  }
0x2da: {  	v26 =	vshra.s32 v26, $0x11;
	v49 =	vor.u32 v57, v17;
	v43 =	vor.u32 v56, v19;
	v56 =	vld [tilespmem:$0x1FD50]  }
0x2db: {  	[tilespmem:v38+s26+$0x0] =	vst.idx.msk $0xffff, v37;
	v37 =	vadd.s32 v0, v26;
	v36 =	vld.idx.msk [tilespmem:v36+s15+$0x0], $0xffff  }
0x2dc: {  	v39 =	vshra.s32 v39, $0x11;
	v29 =	vld.idx.msk [tilespmem:v29+s15+$0x0], $0xffff  }
0x2dd: {  	v24 =	vand.u32 $0x7F, v24;
	v38 =	vadd.s32 v7, v47;
	v47 =	vadd.s32 v0, v39;
	v33 =	vld.idx.msk [tilespmem:v61+s15+$0x0], $0xffff  }
0x2de: {  	v24 =	vor.u32 v24, v25;
	v57 =	vand.u32 $0x80, v38;
	v25 =	vor.u32 v58, v8;
	v61 =	vld [tilespmem:$0x1FCF0]  }
0x2df: {  	v34 =	vadd.s32 v7, v34;
	v38 =	vand.u32 $0x7F, v38;
	[tilespmem:v49+s26+$0x0] =	vst.idx.msk $0xffff, v31;
	v31 =	vadd.s32 v53, v57;
	v57 =	vld [tilespmem:$0x1FDC0]  }
0x2e0: {  	v58 =	vand.u32 $0x80, v34;
	v31 =	vor.u32 v38, v31;
	v37 =	vld.idx.msk [tilespmem:v37+s15+$0x0], $0xffff  }
0x2e1: {  	v38 =	vor.u32 v56, v13;
	[tilespmem:v43+s26+$0x0] =	vst.idx.msk $0xffff, v36;
	v43 =	vadd.s32 v46, v58;
	v58 =	vld [tilespmem:$0x1FD60]  }
0x2e2: {  	v47 =	vld.idx.msk [tilespmem:v47+s15+$0x0], $0xffff  }
0x2e3: {  	v34 =	vand.u32 $0x7F, v34;
	[tilespmem:v25+s26+$0x0] =	vst.idx.msk $0xffff, v44;
	v44 =	vld [tilespmem:$0x1FEA0];
	v48 =	vor.u32 v61, v10  }
0x2e4: {  	v25 =	vor.u32 v34, v43;
	v43 =	vld [tilespmem:$0x1FF20];
	v61 =	vor.u32 v62, v19  }
0x2e5: {  	v24 =	vld.idx.msk [tilespmem:v24+s19+$0x0], $0xffff  }
0x2e6: {  	v36 =	vor.u32 v57, v17;
	v57 =	vld [tilespmem:$0x1FD00];
	[tilespmem:v38+s26+$0x0] =	vst.idx.msk $0xffff, v29  }
0x2e7: {  	v35 =	vadd.s32 v7, v35;
	v31 =	vld.idx.msk [tilespmem:v31+s19+$0x0], $0xffff  }
0x2e8: {  	v42 =	vadd.s32 v7, v42;
	[tilespmem:v48+s26+$0x0] =	vst.idx.msk $0xffff, v33;
	v48 =	vld [tilespmem:$0x1FEC0]  }
0x2e9: {  	[tilespmem:v61+s26+$0x0] =	vst.idx.msk $0xffff, v47;
	v47 =	vld [tilespmem:$0x1FEB0]  }
0x2ea: {  	v34 =	vor.u32 v44, v12;
	v61 =	vld [tilespmem:$0x1FDD0]  }
0x2eb: {  	v56 =	vor.u32 v43, v8;
	[tilespmem:v36+s26+$0x0] =	vst.idx.msk $0xffff, v37;
	v36 =	vor.u32 v58, v13;
	v58 =	vld [tilespmem:$0x1FD10]  }
0x2ec: {  	v15 =	vadd.s32 v7, v15;
	v29 =	vld.idx.msk [tilespmem:v35+s19+$0x0], $0xffff  }
0x2ed: {  	v20 =	vadd.s32 v7, v20;
	v37 =	vld.idx.msk [tilespmem:v42+s19+$0x0], $0xffff  }
0x2ee: {  	v21 =	vadd.s32 v7, v21;
	v42 =	vld [tilespmem:$0x1FF30]  }
0x2ef: {  	v35 =	vor.u32 v57, v10;
	v25 =	vld.idx.msk [tilespmem:v25+s19+$0x0], $0xffff;
	[tilespmem:v34+s26+$0x0] =	vst.idx.msk $0xffff, v16;
	v16 =	vadd.s32 v7, v32  }
0x2f0: {  	v32 =	vor.u32 v4, v19;
	[tilespmem:v56+s26+$0x0] =	vst.idx.msk $0xffff, v24;
	v56 =	vadd.s32 v7, v45;
	v45 =	vld [tilespmem:$0x1FF40]  }
0x2f1: {  	v18 =	vadd.s32 v7, v18;
	v15 =	vld.idx.msk [tilespmem:v15+s15+$0x0], $0xffff  }
0x2f2: {  	v20 =	vld.idx.msk [tilespmem:v20+s15+$0x0], $0xffff;
	v24 =	vor.u32 v47, v12  }
0x2f3: {  	v38 =	vor.u32 v61, v17;
	[tilespmem:v36+s26+$0x0] =	vst.idx.msk $0xffff, v31;
	v61 =	vld [tilespmem:$0x1FD70]  }
0x2f4: {  	[tilespmem:v35+s26+$0x0] =	vst.idx.msk $0xffff, v29;
	v21 =	vld.idx.msk [tilespmem:v21+s15+$0x0], $0xffff  }
0x2f5: {  	v14 =	vadd.s32 v7, v14;
	v57 =	vor.u32 v42, v8;
	[tilespmem:v32+s26+$0x0] =	vst.idx.msk $0xffff, v25;
	v32 =	vld [tilespmem:$0x1FC90]  }
0x2f6: {  	v11 =	vadd.s32 v7, v11;
	v18 =	vld.idx.msk [tilespmem:v18+s15+$0x0], $0xffff  }
0x2f7: {  	v30 =	vadd.s32 v7, v30;
	v31 =	vor.u32 v58, v10;
	[tilespmem:v24+s26+$0x0] =	vst.idx.msk $0xffff, v15;
	v24 =	vld.idx.msk [tilespmem:v56+s15+$0x0], $0xffff  }
0x2f8: {  	[tilespmem:v38+s26+$0x0] =	vst.idx.msk $0xffff, v37;
	v34 =	vor.u32 v61, v13;
	v15 =	vadd.s32 v7, v40;
	v40 =	vld [tilespmem:$0x1FF60]  }
0x2f9: {  	v23 =	vadd.s32 v7, v23;
	v36 =	vor.u32 v5, v19;
	v16 =	vld.idx.msk [tilespmem:v16+s15+$0x0], $0xffff  }
0x2fa: {  	v27 =	vadd.s32 v7, v27;
	[tilespmem:v57+s26+$0x0] =	vst.idx.msk $0xffff, v20;
	v14 =	vld.idx.msk [tilespmem:v14+s15+$0x0], $0xffff;
	v25 =	vor.u32 v32, v17  }
0x2fb: {  	v38 =	vor.u32 v45, v8;
	v11 =	vld.idx.msk [tilespmem:v11+s15+$0x0], $0xffff  }
0x2fc: {  	v37 =	vor.u32 v48, v12;
	[tilespmem:v31+s26+$0x0] =	vst.idx.msk $0xffff, v18;
	v31 =	vadd.s32 v7, v41;
	v41 =	vld [tilespmem:$0x1FF50]  }
0x2fd: {  	v9 =	vadd.s32 v7, v9;
	[tilespmem:v34+s26+$0x0] =	vst.idx.msk $0xffff, v21;
	v21 =	vadd.s32 v7, v28;
	v28 =	vld.idx.msk [tilespmem:v30+s15+$0x0], $0xffff  }
0x2fe: {  	v56 =	vor.u32 v40, v10;
	[tilespmem:v36+s26+$0x0] =	vst.idx.msk $0xffff, v24;
	v58 =	vld.idx.msk [tilespmem:v23+s15+$0x0], $0xffff  }
0x2ff: {  	v61 =	vor.u32 v60, v13;
	v36 =	vld.idx.msk [tilespmem:v27+s15+$0x0], $0xffff;
	[tilespmem:v25+s26+$0x0] =	vst.idx.msk $0xffff, v16  }
0x300: {  	[tilespmem:v38+s26+$0x0] =	vst.idx.msk $0xffff, v11;
	v38 =	vld [tilespmem:$0x1FED0]  }
0x301: {  	v33 =	vor.u32 v63, v17;
	[tilespmem:v37+s26+$0x0] =	vst.idx.msk $0xffff, v14;
	v15 =	vld.idx.msk [tilespmem:v15+s15+$0x0], $0xffff  }
0x302: {  	v34 =	vadd.s32 v7, v26;
	v9 =	vld.idx.msk [tilespmem:v9+s15+$0x0], $0xffff  }
0x303: {  	v57 =	vadd.s32 v7, v22;
	[tilespmem:v56+s26+$0x0] =	vst.idx.msk $0xffff, v28;
	v56 =	vld [tilespmem:$0x1FF70]  }
0x304: {  	v37 =	vor.u32 v6, v19;
	[tilespmem:v61+s26+$0x0] =	vst.idx.msk $0xffff, v58;
	v58 =	vld [tilespmem:$0x1FF80]  }
0x305: {  	v40 =	vadd.s32 v7, v39;
	v61 =	vld [tilespmem:$0x1FFA0];
	v11 =	vor.u32 v38, v12  }
0x306: {  	v8 =	vor.u32 v41, v8;
	v18 =	vld.idx.msk [tilespmem:v21+s15+$0x0], $0xffff;
	[tilespmem:v33+s26+$0x0] =	vst.idx.msk $0xffff, v15  }
0x307: {  	v17 =	vor.u32 v59, v17;
	v14 =	vld.idx.msk [tilespmem:v34+s15+$0x0], $0xffff  }
0x308: {  	v16 =	vld.idx.msk [tilespmem:v57+s15+$0x0], $0xffff;
	v10 =	vor.u32 v56, v10  }
0x309: {  	[tilespmem:v37+s26+$0x0] =	vst.idx.msk $0xffff, v36;
	v57 =	vld.idx.msk [tilespmem:v31+s15+$0x0], $0xffff;
	v13 =	vor.u32 v58, v13  }
0x30a: {  	p0 =	slt.u32 s17, $0x30;
	v60 =	vld.idx.msk [tilespmem:v40+s15+$0x0], $0xffff;
	[tilespmem:v11+s26+$0x0] =	vst.idx.msk $0xffff, v9;
	v11 =	vor.u32 v61, v19  }
.Ltmp7:
0x30b: {  	v49 =	vld [tilespmem:$0x1FFD0];
	[tilespmem:v8+s26+$0x0] =	vst.idx.msk $0xffff, v18;
	(pc) =	sbr.rel @p0 .LBB2_15-.Ltmp7, $4  }
0x30c: {  	v53 =	vld [tilespmem:$0x1FE20];
	[tilespmem:v17+s26+$0x0] =	vst.idx.msk $0xffff, v14  }
0x30d: {  	v46 =	vld [tilespmem:$0x1FFC0];
	[tilespmem:v10+s26+$0x0] =	vst.idx.msk $0xffff, v16  }
0x30e: {  	v35 =	vld [tilespmem:$0x1FE60];
	[tilespmem:v13+s26+$0x0] =	vst.idx.msk $0xffff, v57  }
0x30f: {  	s17 =	sadd.s32 $0x10, s17;
	v32 =	vld [tilespmem:$0x1FE10];
	[tilespmem:v11+s26+$0x0] =	vst.idx.msk $0xffff, v60  }
0x310: {  	v31 =	vld [tilespmem:$0x1FE40]  }
0x311: {  	v33 =	vld [tilespmem:$0x1FE50]  }
0x312: {  	s13 =	sadd.s32 $0x1, s13;
	v34 =	vld [tilespmem:$0x1FE70]  }
0x313: {  	v37 =	vld [tilespmem:$0x1FEF0];
	p0 =	sne.s32 s13, $0x4  }
.Ltmp8:
0x314: {  	v36 =	vld [tilespmem:$0x1FEE0];
	(pc) =	sbr.rel @p0 .LBB2_4-.Ltmp8, $4  }
0x315: {  	s1 =	sshll.u32 s14, $0xB;
	v39 =	vld [tilespmem:$0x1FED0]  }
0x316: {  	s30 =	sadd.s32 $0x80, s30;
	s31 =	sadd.s32 $0x80, s31;
	s12 =	sadd.s32 $0x80, s12;
	v38 =	vld [tilespmem:$0x1FF10]  }
0x317: {  	s2 =	sadd.s32 $0x80, s2;
	s7 =	sadd.s32 $0x80, s7;
	v40 =	vld [tilespmem:$0x1FFE0];
	s1 =	sadd.s32 s1, s9  }
0x318: {  	v41 =	vld [tilespmem:$0x1FFF0];
	[hbm4b:s1+s3] =	stream.linear.scatter [tilespmem:s26], [sflag:$0x4], $0x4000, $0x38  }
0x319: {  	s29 =	sadd.s32 $0x1, s29  }
0x31a: {  	_ =	swait.ge [sflag:s28], $0x4000;
	p0 =	sne.s32 s29, s10  }
.Ltmp9:
0x31b: {  	[sflag:s28] =	ssyncset.done $0x0;
	(pc) =	sbr.rel @p0 .LBB2_1-.Ltmp9, $4  }
0x31c: {  	[sflag:s28] =	ssyncadd.s32 $0xFFFFC000  }
0x31d: {  	_ =	swait.ge [sflag:s25], $0x4000  }
0x31e: {  	[sflag:s25] =	ssyncset.done $0x0  }
0x31f: {  	[sflag:s25] =	ssyncadd.s32 $0xFFFFC000  }
0x320: {  	_ =	sfence.sel $0x180000  }
0x321: {  	[bflag:$0x0] =	sbarrier.arrive $0xFFFF  }
0x322: {  	_ =	strace $0x90000047  }
0x323: {  	s0 =	stileid.u32;
	[bflag:$0x2] =	sbarrier.arrive $0xFFFF  }
0x324: {  	p0 =	sne.s32 s0, $0x0;
	s0 =	rddreg [dreg:$0x6]  }
0x325: {  	s0 =	sadd.s32 @!p0 $0x100000, s0  }
0x326: {  	[sflag:s0] =	ssyncadd.tile.s32 @!p0 $0x1;
	_ =	shalt  }
.Lfunc_end2:
_tile_overlayer_lowered:
.L_overlay_start_2:
0x327: {  	(tag) =	ssettag $0x2  }
0x328: {  	s0 =	rddreg [dreg:$0x0];
	s2 =	stileid.u32  }
0x329: {  	s1 =	rddreg [dreg:$0x1];
	p0 =	sne.s32 s2, $0x0  }
0x32a: {  	s3 =	rddreg [dreg:$0x2];
	[bflag:$0x3] =	sbarrier.arrive $0xFFFF;
	s2 =	simm.s32 @!p0 $0x1C05  }
0x32b: {  	[timem:s3], [sflag:s2] =	dma.local @!p0 [hbm:s0], s1  }
0x32c: {  	s0 =	simm.s32 @!p0 $0x5  }
0x32d: {  	_ =	swait.ge @!p0 [sflag:s0], s1  }
0x32e: {  	s1 =	ssub.s32 @!p0 $0x0, s1;
	[sflag:s0] =	ssyncset.done @!p0 $0x0  }
0x32f: {  	[sflag:s0] =	ssyncadd.s32 @!p0 s1  }
0x330: {  	[bflag:$0x3] =	sbarrier.arrive $0xFFFF  }
0x331: {  	_ =	shalt  }

</sc_bundles>
